<compile_context>
chip_gen: v7x
topology: tpu7x:2x2x1
jax: 0.10.2.dev20260603
libtpu: 0.0.44.dev20260713+nightly
codegen_flags: <defaults>
</compile_context>

<pallas_src>
import functools

import jax
import jax.numpy as jnp
from jax import lax
from jax.experimental import pallas as pl
from jax.experimental.pallas import tpu as pltpu
from jax.experimental.pallas import tpu_sc as plsc

N_ROWS = 512
N_CODES = 8192
DIM = 32
ROW_BLK = 128
N_ROW_BLKS = N_ROWS // ROW_BLK
K_SLOTS = 12
T_MARGIN = 3e-5
D_PAD = 128
CODES_PER_WIDE = D_PAD // DIM
N_GATHER = N_ROWS * K_SLOTS


N_HALF = N_CODES // 2
K_HALF = K_SLOTS // 2


def _cand_kernel(xf_ref, e_ref, cand_ref):
    xm = xf_ref[:, :]
    ee = e_ref[:, :]
    g = lax.dot_general(xm, ee, (((1,), (1,)), ((), ())),
                        preferred_element_type=jnp.float32)
    en = lax.dot_general(jnp.ones((1, DIM), jnp.float32), ee * ee,
                         (((1,), (1,)), ((), ())),
                         preferred_element_type=jnp.float32)
    v = en - (g + g)
    m = jnp.min(v, axis=1, keepdims=True)
    iota = jax.lax.broadcasted_iota(jnp.int32, (ROW_BLK, N_CODES), 1)
    mi = jnp.where(v <= m + T_MARGIN, iota, N_CODES)
    slots = []
    for h in range(2):
        mih = mi[:, h * N_HALF:(h + 1) * N_HALF]
        prev = None
        for _ in range(K_HALF):
            cur_arr = mih if prev is None else jnp.where(mih > prev, mih, N_CODES)
            cur = jnp.min(cur_arr, axis=1, keepdims=True)
            slots.append(cur)
            prev = cur
    cand = jnp.concatenate(slots, axis=1)
    first = jnp.minimum(slots[0], slots[K_HALF])
    cand_ref[:, :] = jnp.where(cand == N_CODES, first, cand)


def _tc_candidates(xf, e):
    return pl.pallas_call(
        _cand_kernel,
        grid=(N_ROW_BLKS,),
        in_specs=[
            pl.BlockSpec((ROW_BLK, DIM), lambda s: (s, 0)),
            pl.BlockSpec((N_CODES, DIM), lambda s: (0, 0)),
        ],
        out_specs=pl.BlockSpec((ROW_BLK, K_SLOTS), lambda s: (s, 0)),
        out_shape=jax.ShapeDtypeStruct((N_ROWS, K_SLOTS), jnp.int32),
    )(xf, e)


def _make_sc_gather():
    info = plsc.get_sparse_core_info()
    nw = info.num_cores * info.num_subcores
    b_per_w = N_GATHER // nw
    mesh = plsc.VectorSubcoreMesh(core_axis_name="c", subcore_axis_name="s")

    @functools.partial(
        pl.kernel, mesh=mesh,
        out_type=jax.ShapeDtypeStruct((N_GATHER, D_PAD), jnp.float32),
        scratch_types=[
            pltpu.VMEM((b_per_w,), jnp.int32),
            pltpu.VMEM((b_per_w, D_PAD), jnp.float32),
            pltpu.SemaphoreType.DMA,
        ],
    )
    def sc_gather(table_hbm, idx_hbm, out_hbm, idx_v, rows_v, sem):
        wid = lax.axis_index("s") * info.num_cores + lax.axis_index("c")
        base = wid * b_per_w
        pltpu.sync_copy(idx_hbm.at[pl.ds(base, b_per_w)], idx_v)
        pltpu.async_copy(table_hbm.at[idx_v], rows_v, sem).wait()
        pltpu.sync_copy(rows_v, out_hbm.at[pl.ds(base, b_per_w)])

    return sc_gather


_sc_gather = _make_sc_gather()


def _exact_distance(xm, ek):
    dd = xm - ek
    t = dd * dd
    d = None
    for r in range(4):
        base = 8 * r
        b = t[:, base:base + 4] + t[:, base + 4:base + 8]
        c = b[:, 0:2] + b[:, 2:4]
        s = c[:, 0:1] + c[:, 1:2]
        d = s if d is None else d + s
    return d


def _select_kernel(xf_ref, rows_ref, cand_ref, out_ref):
    xm = xf_ref[:, :]
    cand = cand_ref[:, :]
    dbest = None
    rbest = None
    for k in range(K_SLOTS):
        w = rows_ref[N_ROWS * k:N_ROWS * (k + 1), :]
        off = jnp.bitwise_and(cand[:, k:k + 1], CODES_PER_WIDE - 1)
        ek = None
        for j in range(CODES_PER_WIDE):
            sel = (off == j).astype(jnp.float32)
            part = sel * w[:, DIM * j:DIM * (j + 1)]
            ek = part if ek is None else ek + part
        d = _exact_distance(xm, ek)
        if dbest is None:
            dbest, rbest = d, ek
        else:
            better = d < dbest
            dbest = jnp.where(better, d, dbest)
            rbest = jnp.where(better, ek, rbest)
    out_ref[:, :] = rbest


def _tc_select(xf, rows, cand):
    return pl.pallas_call(
        _select_kernel,
        in_specs=[
            pl.BlockSpec((N_ROWS, DIM), lambda: (0, 0)),
            pl.BlockSpec((N_GATHER, D_PAD), lambda: (0, 0)),
            pl.BlockSpec((N_ROWS, K_SLOTS), lambda: (0, 0)),
        ],
        out_specs=pl.BlockSpec((N_ROWS, DIM), lambda: (0, 0)),
        out_shape=jax.ShapeDtypeStruct((N_ROWS, DIM), jnp.float32),
    )(xf, rows, cand)


@jax.jit
def kernel(x, embed_weight):
    ori_shape = x.shape
    b, ch, h, w = ori_shape
    xf = jnp.transpose(x, (0, 2, 3, 1)).reshape(b * h * w, ch)
    ew = embed_weight.reshape(N_CODES // CODES_PER_WIDE, D_PAD)

    cand = _tc_candidates(xf, embed_weight)
    widx = (cand.T >> 2).reshape(N_GATHER)
    rows = _sc_gather(ew, widx)
    q = _tc_select(xf, rows, cand)
    return q.reshape(ori_shape)

# --- scband reference (transcript-rebuilt; emitter-appended) ---
"""Pipeline reference for scband-vector-quantizer-18116172055326 (READ-ONLY COPY).

The authoritative reference and input builder live on the scoring server;
editing this copy changes nothing except your own understanding.
"""

import jax, jax.numpy as jnp
import numpy as np

N_EMBEDS = 8192
HIDDEN_DIM = 32


def setup_inputs(seed: int = 0) -> dict:
    key = jax.random.key(seed)
    k_x, k_w = jax.random.split(key)
    x = jax.random.normal(k_x, (2, 32, 16, 16), dtype=jnp.float32)
    # nn.Embedding weight initialized uniform(-1/n_embeds, 1/n_embeds)
    embed_weight = jax.random.uniform(
        k_w, (N_EMBEDS, HIDDEN_DIM), dtype=jnp.float32,
        minval=-1.0 / N_EMBEDS, maxval=1.0 / N_EMBEDS,
    )
    return {"x": x, "embed_weight": embed_weight}


def reference(x, embed_weight):
    ori_shape = x.shape
    b, c, h, w = ori_shape
    # rearrange 'b c h w -> (b h w) c'
    xf = jnp.transpose(x, (0, 2, 3, 1)).reshape(b * h * w, c)
    # pairwise squared distances via broadcast, faithful to torch code
    squared_dist = ((xf[:, None, :] - embed_weight[None, :, :]) ** 2).sum(axis=2)
    argmin = jnp.argmin(squared_dist, axis=1)
    q = jnp.take(embed_weight, argmin, axis=0)
    # NOTE: original torch code does x.view(ori_shape) on the (b h w, c)-ordered
    # buffer, i.e., a raw contiguous reshape back to (b, c, h, w) -- replicate exactly
    q = q.reshape(ori_shape)
    return q

if __name__ == "__main__":
    import jax
    _d = setup_inputs()
    print(jax.jit(kernel)(*tuple(_d.values())))

</pallas_src>

<mosaic_0001>
#map = affine_map<(d0, d1) -> (0, 0)>
#map1 = affine_map<(d0, d1) -> (0)>
module attributes {stable_mosaic.version = 14 : i64} {
  func.func @sc_gather(%arg0: i32, %arg1: i32, %arg2: memref<2048x128xf32, #tpu.memory_space<hbm>>, %arg3: memref<6144xi32, #tpu.memory_space<hbm>>, %arg4: memref<6144x128xf32, #tpu.memory_space<hbm>>, %arg5: memref<192xi32, #tpu.memory_space<vmem>>, %arg6: memref<192x128xf32, #tpu.memory_space<vmem>>, %arg7: memref<!tpu.dma_semaphore, #tpu.memory_space<semaphore_mem>>) attributes {dimension_semantics = [#tpu.dimension_semantics<core_parallel>, #tpu.dimension_semantics<subcore_parallel>], iteration_bounds = array<i64: 2, 16>, scalar_prefetch = 0 : i64, scratch_operands = 3 : i64, tpu.core_type = #tpu.core_type<sc_vector_subcore>, window_params = [{transform_indices = #map}, {transform_indices = #map1}, {transform_indices = #map}]} {
    %mul3A = arith.constant 2 : i32
    %mul3A_0 = arith.muli %arg1, %mul3A : i32
    %add3A = arith.addi %mul3A_0, %arg0 : i32
    %mul3A_1 = arith.constant 192 : i32
    %mul3A_2 = arith.muli %add3A, %mul3A_1 : i32
    "tpu.region"() ({
      %run_scoped3A = tpu.sem_alloc : memref<!tpu.dma_semaphore, #tpu.memory_space<semaphore_mem>>
      %dma_start3A_7 = tpu.memref_slice %arg3[%mul3A_2] : memref<6144xi32, #tpu.memory_space<hbm>> -> memref<192xi32, #tpu.memory_space<hbm>>
      %dma_start3A_8 = tpu.memref_slice %arg3[%mul3A_2] : memref<6144xi32, #tpu.memory_space<hbm>> -> memref<192xi32, #tpu.memory_space<hbm>>
      tpu.enqueue_dma source(%dma_start3A_8 : memref<192xi32, #tpu.memory_space<hbm>>) target(%arg5 : memref<192xi32, #tpu.memory_space<vmem>>) target_semaphore(%run_scoped3A : memref<!tpu.dma_semaphore, #tpu.memory_space<semaphore_mem>>)
      %dma_wait3A_9 = tpu.memref_slice %arg3[%mul3A_2] : memref<6144xi32, #tpu.memory_space<hbm>> -> memref<192xi32, #tpu.memory_space<hbm>>
      %dma_wait3A_10 = tpu.memref_slice %arg3[%mul3A_2] : memref<6144xi32, #tpu.memory_space<hbm>> -> memref<192xi32, #tpu.memory_space<hbm>>
      tpu.wait_dma2 semaphore(%run_scoped3A : memref<!tpu.dma_semaphore, #tpu.memory_space<semaphore_mem>>) src(%dma_wait3A_10 : memref<192xi32, #tpu.memory_space<hbm>>) dst(%arg5 : memref<192xi32, #tpu.memory_space<vmem>>)
      tpu.yield
    }) : () -> ()
    %dma_start3A = arith.constant 0 : i32
    %dma_start3A_3 = arith.constant 0 : i32
    %dma_start3A_4 = tpu.memref_slice %arg2[%dma_start3A, %dma_start3A_3] : memref<2048x128xf32, #tpu.memory_space<hbm>> -> memref<2048x128xf32, #tpu.memory_space<hbm>>
    tpu.enqueue_indirect_dma source(%dma_start3A_4 : memref<2048x128xf32, #tpu.memory_space<hbm>>) target(%arg6 : memref<192x128xf32, #tpu.memory_space<vmem>>) offsets(%arg5 : memref<192xi32, #tpu.memory_space<vmem>>) semaphore(%arg7 : memref<!tpu.dma_semaphore, #tpu.memory_space<semaphore_mem>>)
    %dma_wait3A = arith.constant 0 : i32
    %dma_wait3A_5 = arith.constant 0 : i32
    %dma_wait3A_6 = tpu.memref_slice %arg2[%dma_wait3A, %dma_wait3A_5] : memref<2048x128xf32, #tpu.memory_space<hbm>> -> memref<2048x128xf32, #tpu.memory_space<hbm>>
    tpu.wait_indirect_dma semaphore(%arg7 : memref<!tpu.dma_semaphore, #tpu.memory_space<semaphore_mem>>) src(%dma_wait3A_6 : memref<2048x128xf32, #tpu.memory_space<hbm>>) dst(%arg6 : memref<192x128xf32, #tpu.memory_space<vmem>>)
    "tpu.region"() ({
      %run_scoped3A = tpu.sem_alloc : memref<!tpu.dma_semaphore, #tpu.memory_space<semaphore_mem>>
      %dma_start3A_7 = arith.constant 0 : i32
      %dma_start3A_8 = tpu.memref_slice %arg4[%mul3A_2, %dma_start3A_7] : memref<6144x128xf32, #tpu.memory_space<hbm>> -> memref<192x128xf32, #tpu.memory_space<hbm>>
      %dma_start3A_9 = arith.constant 0 : i32
      %dma_start3A_10 = tpu.memref_slice %arg4[%mul3A_2, %dma_start3A_9] : memref<6144x128xf32, #tpu.memory_space<hbm>> -> memref<192x128xf32, #tpu.memory_space<hbm>>
      tpu.enqueue_dma source(%arg6 : memref<192x128xf32, #tpu.memory_space<vmem>>) target(%dma_start3A_10 : memref<192x128xf32, #tpu.memory_space<hbm>>) target_semaphore(%run_scoped3A : memref<!tpu.dma_semaphore, #tpu.memory_space<semaphore_mem>>)
      %dma_wait3A_11 = arith.constant 0 : i32
      %dma_wait3A_12 = tpu.memref_slice %arg4[%mul3A_2, %dma_wait3A_11] : memref<6144x128xf32, #tpu.memory_space<hbm>> -> memref<192x128xf32, #tpu.memory_space<hbm>>
      %dma_wait3A_13 = arith.constant 0 : i32
      %dma_wait3A_14 = tpu.memref_slice %arg4[%mul3A_2, %dma_wait3A_13] : memref<6144x128xf32, #tpu.memory_space<hbm>> -> memref<192x128xf32, #tpu.memory_space<hbm>>
      tpu.wait_dma2 semaphore(%run_scoped3A : memref<!tpu.dma_semaphore, #tpu.memory_space<semaphore_mem>>) src(%arg6 : memref<192x128xf32, #tpu.memory_space<vmem>>) dst(%dma_wait3A_14 : memref<192x128xf32, #tpu.memory_space<hbm>>)
      tpu.yield
    }) : () -> ()
    return
  }
}

module attributes {stable_mosaic.version = 14 : i64} {
  func.func @_cand_kernel(%arg0: i32, %arg1: memref<128x32xf32, #tpu.memory_space<vmem>>, %arg2: memref<8192x32xf32, #tpu.memory_space<vmem>>, %arg3: memref<128x12xi32, #tpu.memory_space<vmem>>) attributes {dimension_semantics = [#tpu.dimension_semantics<arbitrary>], iteration_bounds = array<i64: 4>, scalar_prefetch = 0 : i64, scratch_operands = 0 : i64, tpu.core_type = #tpu.core_type<tc>, window_params = [{transform_indices = @transform_0, window_bounds = array<i64: 128, 32>}, {pipeline_mode = #tpu.pipeline_mode<synchronous>, transform_indices = @transform_1, window_bounds = array<i64: 8192, 32>}, {transform_indices = @transform_2, window_bounds = array<i64: 128, 12>}]} {
    %get3A = arith.constant 0 : index
    %get3A_0 = arith.constant 0 : index
    %get3A_1 = vector.load %arg1[%get3A, %get3A_0] : memref<128x32xf32, #tpu.memory_space<vmem>>, vector<128x32xf32>
    %get3A_2 = arith.constant 0 : index
    %get3A_3 = arith.constant 0 : index
    %get3A_4 = vector.load %arg2[%get3A_2, %get3A_3] : memref<8192x32xf32, #tpu.memory_space<vmem>>, vector<8192x32xf32>
    %dot_general3A = arith.constant dense<0.000000e+00> : vector<128x8192xf32>
    %dot_general3A_5 = tpu.matmul %get3A_1, %get3A_4, %dot_general3A {dimension_numbers = #tpu.dot_dimension_numbers<[1], [1], [0], [0], [0, 0, 1, 0], [], []>, transpose_lhs_hint = false} : vector<128x32xf32>, vector<8192x32xf32>, vector<128x8192xf32> -> vector<128x8192xf32>
    %broadcast_in_dim3A = arith.constant 1.000000e+00 : f32
    %broadcast_in_dim3A_6 = vector.broadcast %broadcast_in_dim3A : f32 to vector<1x32xf32>
    %mul3A = arith.mulf %get3A_4, %get3A_4 : vector<8192x32xf32>
    %dot_general3A_7 = arith.constant dense<0.000000e+00> : vector<1x8192xf32>
    %dot_general3A_8 = tpu.matmul %broadcast_in_dim3A_6, %mul3A, %dot_general3A_7 {dimension_numbers = #tpu.dot_dimension_numbers<[1], [1], [0], [0], [0, 0, 1, 0], [], []>, transpose_lhs_hint = false} : vector<1x32xf32>, vector<8192x32xf32>, vector<1x8192xf32> -> vector<1x8192xf32>
    %add3A = arith.addf %dot_general3A_5, %dot_general3A_5 : vector<128x8192xf32>
    %sub3A = vector.broadcast %dot_general3A_8 : vector<1x8192xf32> to vector<128x8192xf32>
    %sub3A_9 = arith.subf %sub3A, %add3A : vector<128x8192xf32>
    %reduce_min3A = arith.constant dense<0x7F800000> : vector<128xf32>
    %reduce_min3A_10 = vector.multi_reduction <minimumf>, %sub3A_9, %reduce_min3A [1] : vector<128x8192xf32> to vector<128xf32>
    %broadcast_in_dim3A_11 = vector.shape_cast %reduce_min3A_10 : vector<128xf32> to vector<128x1xf32>
    %iota3A = tpu.iota {dimensions = array<i32: 1>} : vector<128x8192xi32>
    %add3A_12 = arith.constant 3.000000e-05 : f32
    %add3A_13 = vector.broadcast %add3A_12 : f32 to vector<128x1xf32>
    %add3A_14 = arith.addf %broadcast_in_dim3A_11, %add3A_13 : vector<128x1xf32>
    %le3A = vector.broadcast %add3A_14 : vector<128x1xf32> to vector<128x8192xf32>
    %le3A_15 = arith.cmpf ole, %sub3A_9, %le3A : vector<128x8192xf32>
    %jit3A = arith.constant 8192 : i32
    %broadcast_in_dim3A_16 = vector.broadcast %jit3A : i32 to vector<128x8192xi32>
    %select_n3A = arith.select %le3A_15, %iota3A, %broadcast_in_dim3A_16 : vector<128x8192xi1>, vector<128x8192xi32>
    %slice3A = vector.extract_strided_slice %select_n3A {offsets = [0, 0], sizes = [128, 4096], strides = [1, 1]} : vector<128x8192xi32> to vector<128x4096xi32>
    %reduce_min3A_17 = arith.constant dense<2147483647> : vector<128xi32>
    %reduce_min3A_18 = vector.multi_reduction <minsi>, %slice3A, %reduce_min3A_17 [1] : vector<128x4096xi32> to vector<128xi32>
    %broadcast_in_dim3A_19 = vector.shape_cast %reduce_min3A_18 : vector<128xi32> to vector<128x1xi32>
    %gt3A = vector.broadcast %broadcast_in_dim3A_19 : vector<128x1xi32> to vector<128x4096xi32>
    %gt3A_20 = arith.cmpi sgt, %slice3A, %gt3A : vector<128x4096xi32>
    %jit3A_21 = arith.constant 8192 : i32
    %broadcast_in_dim3A_22 = vector.broadcast %jit3A_21 : i32 to vector<128x4096xi32>
    %select_n3A_23 = arith.select %gt3A_20, %slice3A, %broadcast_in_dim3A_22 : vector<128x4096xi1>, vector<128x4096xi32>
    %reduce_min3A_24 = arith.constant dense<2147483647> : vector<128xi32>
    %reduce_min3A_25 = vector.multi_reduction <minsi>, %select_n3A_23, %reduce_min3A_24 [1] : vector<128x4096xi32> to vector<128xi32>
    %broadcast_in_dim3A_26 = vector.shape_cast %reduce_min3A_25 : vector<128xi32> to vector<128x1xi32>
    %gt3A_27 = vector.broadcast %broadcast_in_dim3A_26 : vector<128x1xi32> to vector<128x4096xi32>
    %gt3A_28 = arith.cmpi sgt, %slice3A, %gt3A_27 : vector<128x4096xi32>
    %jit3A_29 = arith.constant 8192 : i32
    %broadcast_in_dim3A_30 = vector.broadcast %jit3A_29 : i32 to vector<128x4096xi32>
    %select_n3A_31 = arith.select %gt3A_28, %slice3A, %broadcast_in_dim3A_30 : vector<128x4096xi1>, vector<128x4096xi32>
    %reduce_min3A_32 = arith.constant dense<2147483647> : vector<128xi32>
    %reduce_min3A_33 = vector.multi_reduction <minsi>, %select_n3A_31, %reduce_min3A_32 [1] : vector<128x4096xi32> to vector<128xi32>
    %broadcast_in_dim3A_34 = vector.shape_cast %reduce_min3A_33 : vector<128xi32> to vector<128x1xi32>
    %gt3A_35 = vector.broadcast %broadcast_in_dim3A_34 : vector<128x1xi32> to vector<128x4096xi32>
    %gt3A_36 = arith.cmpi sgt, %slice3A, %gt3A_35 : vector<128x4096xi32>
    %jit3A_37 = arith.constant 8192 : i32
    %broadcast_in_dim3A_38 = vector.broadcast %jit3A_37 : i32 to vector<128x4096xi32>
    %select_n3A_39 = arith.select %gt3A_36, %slice3A, %broadcast_in_dim3A_38 : vector<128x4096xi1>, vector<128x4096xi32>
    %reduce_min3A_40 = arith.constant dense<2147483647> : vector<128xi32>
    %reduce_min3A_41 = vector.multi_reduction <minsi>, %select_n3A_39, %reduce_min3A_40 [1] : vector<128x4096xi32> to vector<128xi32>
    %broadcast_in_dim3A_42 = vector.shape_cast %reduce_min3A_41 : vector<128xi32> to vector<128x1xi32>
    %gt3A_43 = vector.broadcast %broadcast_in_dim3A_42 : vector<128x1xi32> to vector<128x4096xi32>
    %gt3A_44 = arith.cmpi sgt, %slice3A, %gt3A_43 : vector<128x4096xi32>
    %jit3A_45 = arith.constant 8192 : i32
    %broadcast_in_dim3A_46 = vector.broadcast %jit3A_45 : i32 to vector<128x4096xi32>
    %select_n3A_47 = arith.select %gt3A_44, %slice3A, %broadcast_in_dim3A_46 : vector<128x4096xi1>, vector<128x4096xi32>
    %reduce_min3A_48 = arith.constant dense<2147483647> : vector<128xi32>
    %reduce_min3A_49 = vector.multi_reduction <minsi>, %select_n3A_47, %reduce_min3A_48 [1] : vector<128x4096xi32> to vector<128xi32>
    %broadcast_in_dim3A_50 = vector.shape_cast %reduce_min3A_49 : vector<128xi32> to vector<128x1xi32>
    %gt3A_51 = vector.broadcast %broadcast_in_dim3A_50 : vector<128x1xi32> to vector<128x4096xi32>
    %gt3A_52 = arith.cmpi sgt, %slice3A, %gt3A_51 : vector<128x4096xi32>
    %jit3A_53 = arith.constant 8192 : i32
    %broadcast_in_dim3A_54 = vector.broadcast %jit3A_53 : i32 to vector<128x4096xi32>
    %select_n3A_55 = arith.select %gt3A_52, %slice3A, %broadcast_in_dim3A_54 : vector<128x4096xi1>, vector<128x4096xi32>
    %reduce_min3A_56 = arith.constant dense<2147483647> : vector<128xi32>
    %reduce_min3A_57 = vector.multi_reduction <minsi>, %select_n3A_55, %reduce_min3A_56 [1] : vector<128x4096xi32> to vector<128xi32>
    %broadcast_in_dim3A_58 = vector.shape_cast %reduce_min3A_57 : vector<128xi32> to vector<128x1xi32>
    %slice3A_59 = vector.extract_strided_slice %select_n3A {offsets = [0, 4096], sizes = [128, 4096], strides = [1, 1]} : vector<128x8192xi32> to vector<128x4096xi32>
    %reduce_min3A_60 = arith.constant dense<2147483647> : vector<128xi32>
    %reduce_min3A_61 = vector.multi_reduction <minsi>, %slice3A_59, %reduce_min3A_60 [1] : vector<128x4096xi32> to vector<128xi32>
    %broadcast_in_dim3A_62 = vector.shape_cast %reduce_min3A_61 : vector<128xi32> to vector<128x1xi32>
    %gt3A_63 = vector.broadcast %broadcast_in_dim3A_62 : vector<128x1xi32> to vector<128x4096xi32>
    %gt3A_64 = arith.cmpi sgt, %slice3A_59, %gt3A_63 : vector<128x4096xi32>
    %jit3A_65 = arith.constant 8192 : i32
    %broadcast_in_dim3A_66 = vector.broadcast %jit3A_65 : i32 to vector<128x4096xi32>
    %select_n3A_67 = arith.select %gt3A_64, %slice3A_59, %broadcast_in_dim3A_66 : vector<128x4096xi1>, vector<128x4096xi32>
    %reduce_min3A_68 = arith.constant dense<2147483647> : vector<128xi32>
    %reduce_min3A_69 = vector.multi_reduction <minsi>, %select_n3A_67, %reduce_min3A_68 [1] : vector<128x4096xi32> to vector<128xi32>
    %broadcast_in_dim3A_70 = vector.shape_cast %reduce_min3A_69 : vector<128xi32> to vector<128x1xi32>
    %gt3A_71 = vector.broadcast %broadcast_in_dim3A_70 : vector<128x1xi32> to vector<128x4096xi32>
    %gt3A_72 = arith.cmpi sgt, %slice3A_59, %gt3A_71 : vector<128x4096xi32>
    %jit3A_73 = arith.constant 8192 : i32
    %broadcast_in_dim3A_74 = vector.broadcast %jit3A_73 : i32 to vector<128x4096xi32>
    %select_n3A_75 = arith.select %gt3A_72, %slice3A_59, %broadcast_in_dim3A_74 : vector<128x4096xi1>, vector<128x4096xi32>
    %reduce_min3A_76 = arith.constant dense<2147483647> : vector<128xi32>
    %reduce_min3A_77 = vector.multi_reduction <minsi>, %select_n3A_75, %reduce_min3A_76 [1] : vector<128x4096xi32> to vector<128xi32>
    %broadcast_in_dim3A_78 = vector.shape_cast %reduce_min3A_77 : vector<128xi32> to vector<128x1xi32>
    %gt3A_79 = vector.broadcast %broadcast_in_dim3A_78 : vector<128x1xi32> to vector<128x4096xi32>
    %gt3A_80 = arith.cmpi sgt, %slice3A_59, %gt3A_79 : vector<128x4096xi32>
    %jit3A_81 = arith.constant 8192 : i32
    %broadcast_in_dim3A_82 = vector.broadcast %jit3A_81 : i32 to vector<128x4096xi32>
    %select_n3A_83 = arith.select %gt3A_80, %slice3A_59, %broadcast_in_dim3A_82 : vector<128x4096xi1>, vector<128x4096xi32>
    %reduce_min3A_84 = arith.constant dense<2147483647> : vector<128xi32>
    %reduce_min3A_85 = vector.multi_reduction <minsi>, %select_n3A_83, %reduce_min3A_84 [1] : vector<128x4096xi32> to vector<128xi32>
    %broadcast_in_dim3A_86 = vector.shape_cast %reduce_min3A_85 : vector<128xi32> to vector<128x1xi32>
    %gt3A_87 = vector.broadcast %broadcast_in_dim3A_86 : vector<128x1xi32> to vector<128x4096xi32>
    %gt3A_88 = arith.cmpi sgt, %slice3A_59, %gt3A_87 : vector<128x4096xi32>
    %jit3A_89 = arith.constant 8192 : i32
    %broadcast_in_dim3A_90 = vector.broadcast %jit3A_89 : i32 to vector<128x4096xi32>
    %select_n3A_91 = arith.select %gt3A_88, %slice3A_59, %broadcast_in_dim3A_90 : vector<128x4096xi1>, vector<128x4096xi32>
    %reduce_min3A_92 = arith.constant dense<2147483647> : vector<128xi32>
    %reduce_min3A_93 = vector.multi_reduction <minsi>, %select_n3A_91, %reduce_min3A_92 [1] : vector<128x4096xi32> to vector<128xi32>
    %broadcast_in_dim3A_94 = vector.shape_cast %reduce_min3A_93 : vector<128xi32> to vector<128x1xi32>
    %gt3A_95 = vector.broadcast %broadcast_in_dim3A_94 : vector<128x1xi32> to vector<128x4096xi32>
    %gt3A_96 = arith.cmpi sgt, %slice3A_59, %gt3A_95 : vector<128x4096xi32>
    %jit3A_97 = arith.constant 8192 : i32
    %broadcast_in_dim3A_98 = vector.broadcast %jit3A_97 : i32 to vector<128x4096xi32>
    %select_n3A_99 = arith.select %gt3A_96, %slice3A_59, %broadcast_in_dim3A_98 : vector<128x4096xi1>, vector<128x4096xi32>
    %reduce_min3A_100 = arith.constant dense<2147483647> : vector<128xi32>
    %reduce_min3A_101 = vector.multi_reduction <minsi>, %select_n3A_99, %reduce_min3A_100 [1] : vector<128x4096xi32> to vector<128xi32>
    %broadcast_in_dim3A_102 = vector.shape_cast %reduce_min3A_101 : vector<128xi32> to vector<128x1xi32>
    %concatenate3A = tpu.concatenate %broadcast_in_dim3A_19, %broadcast_in_dim3A_26, %broadcast_in_dim3A_34, %broadcast_in_dim3A_42, %broadcast_in_dim3A_50, %broadcast_in_dim3A_58, %broadcast_in_dim3A_62, %broadcast_in_dim3A_70, %broadcast_in_dim3A_78, %broadcast_in_dim3A_86, %broadcast_in_dim3A_94, %broadcast_in_dim3A_102 in 1 : vector<128x1xi32>, vector<128x1xi32>, vector<128x1xi32>, vector<128x1xi32>, vector<128x1xi32>, vector<128x1xi32>, vector<128x1xi32>, vector<128x1xi32>, vector<128x1xi32>, vector<128x1xi32>, vector<128x1xi32>, vector<128x1xi32> -> vector<128x12xi32>
    %min3A = arith.minsi %broadcast_in_dim3A_19, %broadcast_in_dim3A_62 : vector<128x1xi32>
    %eq3A = arith.constant 8192 : i32
    %eq3A_103 = vector.broadcast %eq3A : i32 to vector<128x12xi32>
    %eq3A_104 = arith.cmpi eq, %concatenate3A, %eq3A_103 : vector<128x12xi32>
    %broadcast_in_dim3A_105 = vector.shape_cast %min3A : vector<128x1xi32> to vector<128x1xi32>
    %broadcast_in_dim3A_106 = vector.broadcast %broadcast_in_dim3A_105 : vector<128x1xi32> to vector<128x12xi32>
    %select_n3A_107 = arith.select %eq3A_104, %broadcast_in_dim3A_106, %concatenate3A : vector<128x12xi1>, vector<128x12xi32>
    %swap3A = arith.constant 0 : index
    %swap3A_108 = arith.constant 0 : index
    %swap3A_109 = vector.load %arg3[%swap3A, %swap3A_108] : memref<128x12xi32, #tpu.memory_space<vmem>>, vector<128x12xi32>
    tpu.vector_store %arg3[%swap3A, %swap3A_108], %select_n3A_107 {strides = array<i32>} : memref<128x12xi32, #tpu.memory_space<vmem>>, vector<128x12xi32>,
    return
  }
  func.func @transform_0(%arg0: i32) -> (i32, i32) {
    %c0_i32 = arith.constant 0 : i32
    %c0_i32_0 = arith.constant 0 : i32
    return %arg0, %c0_i32 : i32, i32
  }
  func.func @transform_1(%arg0: i32) -> (i32, i32) {
    %c0_i32 = arith.constant 0 : i32
    %c0_i32_0 = arith.constant 0 : i32
    %c0_i32_1 = arith.constant 0 : i32
    return %c0_i32, %c0_i32_0 : i32, i32
  }
  func.func @transform_2(%arg0: i32) -> (i32, i32) {
    %c0_i32 = arith.constant 0 : i32
    %c0_i32_0 = arith.constant 0 : i32
    return %arg0, %c0_i32 : i32, i32
  }
}

module attributes {stable_mosaic.version = 14 : i64} {
  func.func @_select_kernel(%arg0: memref<512x32xf32, #tpu.memory_space<vmem>>, %arg1: memref<6144x128xf32, #tpu.memory_space<vmem>>, %arg2: memref<512x12xi32, #tpu.memory_space<vmem>>, %arg3: memref<512x32xf32, #tpu.memory_space<vmem>>) attributes {dimension_semantics = [], scalar_prefetch = 0 : i64, scratch_operands = 0 : i64, tpu.core_type = #tpu.core_type<tc>} {
    %get3A = arith.constant 0 : index
    %get3A_0 = arith.constant 0 : index
    %get3A_1 = vector.load %arg0[%get3A, %get3A_0] : memref<512x32xf32, #tpu.memory_space<vmem>>, vector<512x32xf32>
    %get3A_2 = arith.constant 0 : index
    %get3A_3 = arith.constant 0 : index
    %get3A_4 = vector.load %arg2[%get3A_2, %get3A_3] : memref<512x12xi32, #tpu.memory_space<vmem>>, vector<512x12xi32>
    %get3A_5 = arith.constant 0 : index
    %get3A_6 = arith.constant 0 : index
    %get3A_7 = vector.load %arg1[%get3A_5, %get3A_6] : memref<6144x128xf32, #tpu.memory_space<vmem>>, vector<512x128xf32>
    %slice3A = vector.extract_strided_slice %get3A_4 {offsets = [0, 0], sizes = [512, 1], strides = [1, 1]} : vector<512x12xi32> to vector<512x1xi32>
    %and3A = arith.constant 3 : i32
    %and3A_8 = vector.broadcast %and3A : i32 to vector<512x1xi32>
    %and3A_9 = arith.andi %slice3A, %and3A_8 : vector<512x1xi32>
    %eq3A = arith.constant 0 : i32
    %eq3A_10 = vector.broadcast %eq3A : i32 to vector<512x1xi32>
    %eq3A_11 = arith.cmpi eq, %and3A_9, %eq3A_10 : vector<512x1xi32>
    %convert_element_type3A = arith.extui %eq3A_11 : vector<512x1xi1> to vector<512x1xi32>
    %convert_element_type3A_12 = arith.sitofp %convert_element_type3A : vector<512x1xi32> to vector<512x1xf32>
    %slice3A_13 = vector.extract_strided_slice %get3A_7 {offsets = [0, 0], sizes = [512, 32], strides = [1, 1]} : vector<512x128xf32> to vector<512x32xf32>
    %mul3A = vector.broadcast %convert_element_type3A_12 : vector<512x1xf32> to vector<512x32xf32>
    %mul3A_14 = arith.mulf %mul3A, %slice3A_13 : vector<512x32xf32>
    %eq3A_15 = arith.constant 1 : i32
    %eq3A_16 = vector.broadcast %eq3A_15 : i32 to vector<512x1xi32>
    %eq3A_17 = arith.cmpi eq, %and3A_9, %eq3A_16 : vector<512x1xi32>
    %convert_element_type3A_18 = arith.extui %eq3A_17 : vector<512x1xi1> to vector<512x1xi32>
    %convert_element_type3A_19 = arith.sitofp %convert_element_type3A_18 : vector<512x1xi32> to vector<512x1xf32>
    %slice3A_20 = vector.extract_strided_slice %get3A_7 {offsets = [0, 32], sizes = [512, 32], strides = [1, 1]} : vector<512x128xf32> to vector<512x32xf32>
    %mul3A_21 = vector.broadcast %convert_element_type3A_19 : vector<512x1xf32> to vector<512x32xf32>
    %mul3A_22 = arith.mulf %mul3A_21, %slice3A_20 : vector<512x32xf32>
    %add3A = arith.addf %mul3A_14, %mul3A_22 : vector<512x32xf32>
    %eq3A_23 = arith.constant 2 : i32
    %eq3A_24 = vector.broadcast %eq3A_23 : i32 to vector<512x1xi32>
    %eq3A_25 = arith.cmpi eq, %and3A_9, %eq3A_24 : vector<512x1xi32>
    %convert_element_type3A_26 = arith.extui %eq3A_25 : vector<512x1xi1> to vector<512x1xi32>
    %convert_element_type3A_27 = arith.sitofp %convert_element_type3A_26 : vector<512x1xi32> to vector<512x1xf32>
    %slice3A_28 = vector.extract_strided_slice %get3A_7 {offsets = [0, 64], sizes = [512, 32], strides = [1, 1]} : vector<512x128xf32> to vector<512x32xf32>
    %mul3A_29 = vector.broadcast %convert_element_type3A_27 : vector<512x1xf32> to vector<512x32xf32>
    %mul3A_30 = arith.mulf %mul3A_29, %slice3A_28 : vector<512x32xf32>
    %add3A_31 = arith.addf %add3A, %mul3A_30 : vector<512x32xf32>
    %eq3A_32 = arith.constant 3 : i32
    %eq3A_33 = vector.broadcast %eq3A_32 : i32 to vector<512x1xi32>
    %eq3A_34 = arith.cmpi eq, %and3A_9, %eq3A_33 : vector<512x1xi32>
    %convert_element_type3A_35 = arith.extui %eq3A_34 : vector<512x1xi1> to vector<512x1xi32>
    %convert_element_type3A_36 = arith.sitofp %convert_element_type3A_35 : vector<512x1xi32> to vector<512x1xf32>
    %slice3A_37 = vector.extract_strided_slice %get3A_7 {offsets = [0, 96], sizes = [512, 32], strides = [1, 1]} : vector<512x128xf32> to vector<512x32xf32>
    %mul3A_38 = vector.broadcast %convert_element_type3A_36 : vector<512x1xf32> to vector<512x32xf32>
    %mul3A_39 = arith.mulf %mul3A_38, %slice3A_37 : vector<512x32xf32>
    %add3A_40 = arith.addf %add3A_31, %mul3A_39 : vector<512x32xf32>
    %sub3A = arith.subf %get3A_1, %add3A_40 : vector<512x32xf32>
    %mul3A_41 = arith.mulf %sub3A, %sub3A : vector<512x32xf32>
    %slice3A_42 = vector.extract_strided_slice %mul3A_41 {offsets = [0, 0], sizes = [512, 4], strides = [1, 1]} : vector<512x32xf32> to vector<512x4xf32>
    %slice3A_43 = vector.extract_strided_slice %mul3A_41 {offsets = [0, 4], sizes = [512, 4], strides = [1, 1]} : vector<512x32xf32> to vector<512x4xf32>
    %add3A_44 = arith.addf %slice3A_42, %slice3A_43 : vector<512x4xf32>
    %slice3A_45 = vector.extract_strided_slice %add3A_44 {offsets = [0, 0], sizes = [512, 2], strides = [1, 1]} : vector<512x4xf32> to vector<512x2xf32>
    %slice3A_46 = vector.extract_strided_slice %add3A_44 {offsets = [0, 2], sizes = [512, 2], strides = [1, 1]} : vector<512x4xf32> to vector<512x2xf32>
    %add3A_47 = arith.addf %slice3A_45, %slice3A_46 : vector<512x2xf32>
    %slice3A_48 = vector.extract_strided_slice %add3A_47 {offsets = [0, 0], sizes = [512, 1], strides = [1, 1]} : vector<512x2xf32> to vector<512x1xf32>
    %slice3A_49 = vector.extract_strided_slice %add3A_47 {offsets = [0, 1], sizes = [512, 1], strides = [1, 1]} : vector<512x2xf32> to vector<512x1xf32>
    %add3A_50 = arith.addf %slice3A_48, %slice3A_49 : vector<512x1xf32>
    %slice3A_51 = vector.extract_strided_slice %mul3A_41 {offsets = [0, 8], sizes = [512, 4], strides = [1, 1]} : vector<512x32xf32> to vector<512x4xf32>
    %slice3A_52 = vector.extract_strided_slice %mul3A_41 {offsets = [0, 12], sizes = [512, 4], strides = [1, 1]} : vector<512x32xf32> to vector<512x4xf32>
    %add3A_53 = arith.addf %slice3A_51, %slice3A_52 : vector<512x4xf32>
    %slice3A_54 = vector.extract_strided_slice %add3A_53 {offsets = [0, 0], sizes = [512, 2], strides = [1, 1]} : vector<512x4xf32> to vector<512x2xf32>
    %slice3A_55 = vector.extract_strided_slice %add3A_53 {offsets = [0, 2], sizes = [512, 2], strides = [1, 1]} : vector<512x4xf32> to vector<512x2xf32>
    %add3A_56 = arith.addf %slice3A_54, %slice3A_55 : vector<512x2xf32>
    %slice3A_57 = vector.extract_strided_slice %add3A_56 {offsets = [0, 0], sizes = [512, 1], strides = [1, 1]} : vector<512x2xf32> to vector<512x1xf32>
    %slice3A_58 = vector.extract_strided_slice %add3A_56 {offsets = [0, 1], sizes = [512, 1], strides = [1, 1]} : vector<512x2xf32> to vector<512x1xf32>
    %add3A_59 = arith.addf %slice3A_57, %slice3A_58 : vector<512x1xf32>
    %add3A_60 = arith.addf %add3A_50, %add3A_59 : vector<512x1xf32>
    %slice3A_61 = vector.extract_strided_slice %mul3A_41 {offsets = [0, 16], sizes = [512, 4], strides = [1, 1]} : vector<512x32xf32> to vector<512x4xf32>
    %slice3A_62 = vector.extract_strided_slice %mul3A_41 {offsets = [0, 20], sizes = [512, 4], strides = [1, 1]} : vector<512x32xf32> to vector<512x4xf32>
    %add3A_63 = arith.addf %slice3A_61, %slice3A_62 : vector<512x4xf32>
    %slice3A_64 = vector.extract_strided_slice %add3A_63 {offsets = [0, 0], sizes = [512, 2], strides = [1, 1]} : vector<512x4xf32> to vector<512x2xf32>
    %slice3A_65 = vector.extract_strided_slice %add3A_63 {offsets = [0, 2], sizes = [512, 2], strides = [1, 1]} : vector<512x4xf32> to vector<512x2xf32>
    %add3A_66 = arith.addf %slice3A_64, %slice3A_65 : vector<512x2xf32>
    %slice3A_67 = vector.extract_strided_slice %add3A_66 {offsets = [0, 0], sizes = [512, 1], strides = [1, 1]} : vector<512x2xf32> to vector<512x1xf32>
    %slice3A_68 = vector.extract_strided_slice %add3A_66 {offsets = [0, 1], sizes = [512, 1], strides = [1, 1]} : vector<512x2xf32> to vector<512x1xf32>
    %add3A_69 = arith.addf %slice3A_67, %slice3A_68 : vector<512x1xf32>
    %add3A_70 = arith.addf %add3A_60, %add3A_69 : vector<512x1xf32>
    %slice3A_71 = vector.extract_strided_slice %mul3A_41 {offsets = [0, 24], sizes = [512, 4], strides = [1, 1]} : vector<512x32xf32> to vector<512x4xf32>
    %slice3A_72 = vector.extract_strided_slice %mul3A_41 {offsets = [0, 28], sizes = [512, 4], strides = [1, 1]} : vector<512x32xf32> to vector<512x4xf32>
    %add3A_73 = arith.addf %slice3A_71, %slice3A_72 : vector<512x4xf32>
    %slice3A_74 = vector.extract_strided_slice %add3A_73 {offsets = [0, 0], sizes = [512, 2], strides = [1, 1]} : vector<512x4xf32> to vector<512x2xf32>
    %slice3A_75 = vector.extract_strided_slice %add3A_73 {offsets = [0, 2], sizes = [512, 2], strides = [1, 1]} : vector<512x4xf32> to vector<512x2xf32>
    %add3A_76 = arith.addf %slice3A_74, %slice3A_75 : vector<512x2xf32>
    %slice3A_77 = vector.extract_strided_slice %add3A_76 {offsets = [0, 0], sizes = [512, 1], strides = [1, 1]} : vector<512x2xf32> to vector<512x1xf32>
    %slice3A_78 = vector.extract_strided_slice %add3A_76 {offsets = [0, 1], sizes = [512, 1], strides = [1, 1]} : vector<512x2xf32> to vector<512x1xf32>
    %add3A_79 = arith.addf %slice3A_77, %slice3A_78 : vector<512x1xf32>
    %add3A_80 = arith.addf %add3A_70, %add3A_79 : vector<512x1xf32>
    %get3A_81 = arith.constant 512 : index
    %get3A_82 = arith.constant 0 : index
    %get3A_83 = vector.load %arg1[%get3A_81, %get3A_82] : memref<6144x128xf32, #tpu.memory_space<vmem>>, vector<512x128xf32>
    %slice3A_84 = vector.extract_strided_slice %get3A_4 {offsets = [0, 1], sizes = [512, 1], strides = [1, 1]} : vector<512x12xi32> to vector<512x1xi32>
    %and3A_85 = arith.constant 3 : i32
    %and3A_86 = vector.broadcast %and3A_85 : i32 to vector<512x1xi32>
    %and3A_87 = arith.andi %slice3A_84, %and3A_86 : vector<512x1xi32>
    %eq3A_88 = arith.constant 0 : i32
    %eq3A_89 = vector.broadcast %eq3A_88 : i32 to vector<512x1xi32>
    %eq3A_90 = arith.cmpi eq, %and3A_87, %eq3A_89 : vector<512x1xi32>
    %convert_element_type3A_91 = arith.extui %eq3A_90 : vector<512x1xi1> to vector<512x1xi32>
    %convert_element_type3A_92 = arith.sitofp %convert_element_type3A_91 : vector<512x1xi32> to vector<512x1xf32>
    %slice3A_93 = vector.extract_strided_slice %get3A_83 {offsets = [0, 0], sizes = [512, 32], strides = [1, 1]} : vector<512x128xf32> to vector<512x32xf32>
    %mul3A_94 = vector.broadcast %convert_element_type3A_92 : vector<512x1xf32> to vector<512x32xf32>
    %mul3A_95 = arith.mulf %mul3A_94, %slice3A_93 : vector<512x32xf32>
    %eq3A_96 = arith.constant 1 : i32
    %eq3A_97 = vector.broadcast %eq3A_96 : i32 to vector<512x1xi32>
    %eq3A_98 = arith.cmpi eq, %and3A_87, %eq3A_97 : vector<512x1xi32>
    %convert_element_type3A_99 = arith.extui %eq3A_98 : vector<512x1xi1> to vector<512x1xi32>
    %convert_element_type3A_100 = arith.sitofp %convert_element_type3A_99 : vector<512x1xi32> to vector<512x1xf32>
    %slice3A_101 = vector.extract_strided_slice %get3A_83 {offsets = [0, 32], sizes = [512, 32], strides = [1, 1]} : vector<512x128xf32> to vector<512x32xf32>
    %mul3A_102 = vector.broadcast %convert_element_type3A_100 : vector<512x1xf32> to vector<512x32xf32>
    %mul3A_103 = arith.mulf %mul3A_102, %slice3A_101 : vector<512x32xf32>
    %add3A_104 = arith.addf %mul3A_95, %mul3A_103 : vector<512x32xf32>
    %eq3A_105 = arith.constant 2 : i32
    %eq3A_106 = vector.broadcast %eq3A_105 : i32 to vector<512x1xi32>
    %eq3A_107 = arith.cmpi eq, %and3A_87, %eq3A_106 : vector<512x1xi32>
    %convert_element_type3A_108 = arith.extui %eq3A_107 : vector<512x1xi1> to vector<512x1xi32>
    %convert_element_type3A_109 = arith.sitofp %convert_element_type3A_108 : vector<512x1xi32> to vector<512x1xf32>
    %slice3A_110 = vector.extract_strided_slice %get3A_83 {offsets = [0, 64], sizes = [512, 32], strides = [1, 1]} : vector<512x128xf32> to vector<512x32xf32>
    %mul3A_111 = vector.broadcast %convert_element_type3A_109 : vector<512x1xf32> to vector<512x32xf32>
    %mul3A_112 = arith.mulf %mul3A_111, %slice3A_110 : vector<512x32xf32>
    %add3A_113 = arith.addf %add3A_104, %mul3A_112 : vector<512x32xf32>
    %eq3A_114 = arith.constant 3 : i32
    %eq3A_115 = vector.broadcast %eq3A_114 : i32 to vector<512x1xi32>
    %eq3A_116 = arith.cmpi eq, %and3A_87, %eq3A_115 : vector<512x1xi32>
    %convert_element_type3A_117 = arith.extui %eq3A_116 : vector<512x1xi1> to vector<512x1xi32>
    %convert_element_type3A_118 = arith.sitofp %convert_element_type3A_117 : vector<512x1xi32> to vector<512x1xf32>
    %slice3A_119 = vector.extract_strided_slice %get3A_83 {offsets = [0, 96], sizes = [512, 32], strides = [1, 1]} : vector<512x128xf32> to vector<512x32xf32>
    %mul3A_120 = vector.broadcast %convert_element_type3A_118 : vector<512x1xf32> to vector<512x32xf32>
    %mul3A_121 = arith.mulf %mul3A_120, %slice3A_119 : vector<512x32xf32>
    %add3A_122 = arith.addf %add3A_113, %mul3A_121 : vector<512x32xf32>
    %sub3A_123 = arith.subf %get3A_1, %add3A_122 : vector<512x32xf32>
    %mul3A_124 = arith.mulf %sub3A_123, %sub3A_123 : vector<512x32xf32>
    %slice3A_125 = vector.extract_strided_slice %mul3A_124 {offsets = [0, 0], sizes = [512, 4], strides = [1, 1]} : vector<512x32xf32> to vector<512x4xf32>
    %slice3A_126 = vector.extract_strided_slice %mul3A_124 {offsets = [0, 4], sizes = [512, 4], strides = [1, 1]} : vector<512x32xf32> to vector<512x4xf32>
    %add3A_127 = arith.addf %slice3A_125, %slice3A_126 : vector<512x4xf32>
    %slice3A_128 = vector.extract_strided_slice %add3A_127 {offsets = [0, 0], sizes = [512, 2], strides = [1, 1]} : vector<512x4xf32> to vector<512x2xf32>
    %slice3A_129 = vector.extract_strided_slice %add3A_127 {offsets = [0, 2], sizes = [512, 2], strides = [1, 1]} : vector<512x4xf32> to vector<512x2xf32>
    %add3A_130 = arith.addf %slice3A_128, %slice3A_129 : vector<512x2xf32>
    %slice3A_131 = vector.extract_strided_slice %add3A_130 {offsets = [0, 0], sizes = [512, 1], strides = [1, 1]} : vector<512x2xf32> to vector<512x1xf32>
    %slice3A_132 = vector.extract_strided_slice %add3A_130 {offsets = [0, 1], sizes = [512, 1], strides = [1, 1]} : vector<512x2xf32> to vector<512x1xf32>
    %add3A_133 = arith.addf %slice3A_131, %slice3A_132 : vector<512x1xf32>
    %slice3A_134 = vector.extract_strided_slice %mul3A_124 {offsets = [0, 8], sizes = [512, 4], strides = [1, 1]} : vector<512x32xf32> to vector<512x4xf32>
    %slice3A_135 = vector.extract_strided_slice %mul3A_124 {offsets = [0, 12], sizes = [512, 4], strides = [1, 1]} : vector<512x32xf32> to vector<512x4xf32>
    %add3A_136 = arith.addf %slice3A_134, %slice3A_135 : vector<512x4xf32>
    %slice3A_137 = vector.extract_strided_slice %add3A_136 {offsets = [0, 0], sizes = [512, 2], strides = [1, 1]} : vector<512x4xf32> to vector<512x2xf32>
    %slice3A_138 = vector.extract_strided_slice %add3A_136 {offsets = [0, 2], sizes = [512, 2], strides = [1, 1]} : vector<512x4xf32> to vector<512x2xf32>
    %add3A_139 = arith.addf %slice3A_137, %slice3A_138 : vector<512x2xf32>
    %slice3A_140 = vector.extract_strided_slice %add3A_139 {offsets = [0, 0], sizes = [512, 1], strides = [1, 1]} : vector<512x2xf32> to vector<512x1xf32>
    %slice3A_141 = vector.extract_strided_slice %add3A_139 {offsets = [0, 1], sizes = [512, 1], strides = [1, 1]} : vector<512x2xf32> to vector<512x1xf32>
    %add3A_142 = arith.addf %slice3A_140, %slice3A_141 : vector<512x1xf32>
    %add3A_143 = arith.addf %add3A_133, %add3A_142 : vector<512x1xf32>
    %slice3A_144 = vector.extract_strided_slice %mul3A_124 {offsets = [0, 16], sizes = [512, 4], strides = [1, 1]} : vector<512x32xf32> to vector<512x4xf32>
    %slice3A_145 = vector.extract_strided_slice %mul3A_124 {offsets = [0, 20], sizes = [512, 4], strides = [1, 1]} : vector<512x32xf32> to vector<512x4xf32>
    %add3A_146 = arith.addf %slice3A_144, %slice3A_145 : vector<512x4xf32>
    %slice3A_147 = vector.extract_strided_slice %add3A_146 {offsets = [0, 0], sizes = [512, 2], strides = [1, 1]} : vector<512x4xf32> to vector<512x2xf32>
    %slice3A_148 = vector.extract_strided_slice %add3A_146 {offsets = [0, 2], sizes = [512, 2], strides = [1, 1]} : vector<512x4xf32> to vector<512x2xf32>
    %add3A_149 = arith.addf %slice3A_147, %slice3A_148 : vector<512x2xf32>
    %slice3A_150 = vector.extract_strided_slice %add3A_149 {offsets = [0, 0], sizes = [512, 1], strides = [1, 1]} : vector<512x2xf32> to vector<512x1xf32>
    %slice3A_151 = vector.extract_strided_slice %add3A_149 {offsets = [0, 1], sizes = [512, 1], strides = [1, 1]} : vector<512x2xf32> to vector<512x1xf32>
    %add3A_152 = arith.addf %slice3A_150, %slice3A_151 : vector<512x1xf32>
    %add3A_153 = arith.addf %add3A_143, %add3A_152 : vector<512x1xf32>
    %slice3A_154 = vector.extract_strided_slice %mul3A_124 {offsets = [0, 24], sizes = [512, 4], strides = [1, 1]} : vector<512x32xf32> to vector<512x4xf32>
    %slice3A_155 = vector.extract_strided_slice %mul3A_124 {offsets = [0, 28], sizes = [512, 4], strides = [1, 1]} : vector<512x32xf32> to vector<512x4xf32>
    %add3A_156 = arith.addf %slice3A_154, %slice3A_155 : vector<512x4xf32>
    %slice3A_157 = vector.extract_strided_slice %add3A_156 {offsets = [0, 0], sizes = [512, 2], strides = [1, 1]} : vector<512x4xf32> to vector<512x2xf32>
    %slice3A_158 = vector.extract_strided_slice %add3A_156 {offsets = [0, 2], sizes = [512, 2], strides = [1, 1]} : vector<512x4xf32> to vector<512x2xf32>
    %add3A_159 = arith.addf %slice3A_157, %slice3A_158 : vector<512x2xf32>
    %slice3A_160 = vector.extract_strided_slice %add3A_159 {offsets = [0, 0], sizes = [512, 1], strides = [1, 1]} : vector<512x2xf32> to vector<512x1xf32>
    %slice3A_161 = vector.extract_strided_slice %add3A_159 {offsets = [0, 1], sizes = [512, 1], strides = [1, 1]} : vector<512x2xf32> to vector<512x1xf32>
    %add3A_162 = arith.addf %slice3A_160, %slice3A_161 : vector<512x1xf32>
    %add3A_163 = arith.addf %add3A_153, %add3A_162 : vector<512x1xf32>
    %lt3A = arith.cmpf olt, %add3A_163, %add3A_80 : vector<512x1xf32>
    %select_n3A = arith.select %lt3A, %add3A_163, %add3A_80 : vector<512x1xi1>, vector<512x1xf32>
    %broadcast_in_dim3A = vector.shape_cast %lt3A : vector<512x1xi1> to vector<512x1xi1>
    %broadcast_in_dim3A_164 = vector.broadcast %broadcast_in_dim3A : vector<512x1xi1> to vector<512x32xi1>
    %select_n3A_165 = arith.select %broadcast_in_dim3A_164, %add3A_122, %add3A_40 : vector<512x32xi1>, vector<512x32xf32>
    %get3A_166 = arith.constant 1024 : index
    %get3A_167 = arith.constant 0 : index
    %get3A_168 = vector.load %arg1[%get3A_166, %get3A_167] : memref<6144x128xf32, #tpu.memory_space<vmem>>, vector<512x128xf32>
    %slice3A_169 = vector.extract_strided_slice %get3A_4 {offsets = [0, 2], sizes = [512, 1], strides = [1, 1]} : vector<512x12xi32> to vector<512x1xi32>
    %and3A_170 = arith.constant 3 : i32
    %and3A_171 = vector.broadcast %and3A_170 : i32 to vector<512x1xi32>
    %and3A_172 = arith.andi %slice3A_169, %and3A_171 : vector<512x1xi32>
    %eq3A_173 = arith.constant 0 : i32
    %eq3A_174 = vector.broadcast %eq3A_173 : i32 to vector<512x1xi32>
    %eq3A_175 = arith.cmpi eq, %and3A_172, %eq3A_174 : vector<512x1xi32>
    %convert_element_type3A_176 = arith.extui %eq3A_175 : vector<512x1xi1> to vector<512x1xi32>
    %convert_element_type3A_177 = arith.sitofp %convert_element_type3A_176 : vector<512x1xi32> to vector<512x1xf32>
    %slice3A_178 = vector.extract_strided_slice %get3A_168 {offsets = [0, 0], sizes = [512, 32], strides = [1, 1]} : vector<512x128xf32> to vector<512x32xf32>
    %mul3A_179 = vector.broadcast %convert_element_type3A_177 : vector<512x1xf32> to vector<512x32xf32>
    %mul3A_180 = arith.mulf %mul3A_179, %slice3A_178 : vector<512x32xf32>
    %eq3A_181 = arith.constant 1 : i32
    %eq3A_182 = vector.broadcast %eq3A_181 : i32 to vector<512x1xi32>
    %eq3A_183 = arith.cmpi eq, %and3A_172, %eq3A_182 : vector<512x1xi32>
    %convert_element_type3A_184 = arith.extui %eq3A_183 : vector<512x1xi1> to vector<512x1xi32>
    %convert_element_type3A_185 = arith.sitofp %convert_element_type3A_184 : vector<512x1xi32> to vector<512x1xf32>
    %slice3A_186 = vector.extract_strided_slice %get3A_168 {offsets = [0, 32], sizes = [512, 32], strides = [1, 1]} : vector<512x128xf32> to vector<512x32xf32>
    %mul3A_187 = vector.broadcast %convert_element_type3A_185 : vector<512x1xf32> to vector<512x32xf32>
    %mul3A_188 = arith.mulf %mul3A_187, %slice3A_186 : vector<512x32xf32>
    %add3A_189 = arith.addf %mul3A_180, %mul3A_188 : vector<512x32xf32>
    %eq3A_190 = arith.constant 2 : i32
    %eq3A_191 = vector.broadcast %eq3A_190 : i32 to vector<512x1xi32>
    %eq3A_192 = arith.cmpi eq, %and3A_172, %eq3A_191 : vector<512x1xi32>
    %convert_element_type3A_193 = arith.extui %eq3A_192 : vector<512x1xi1> to vector<512x1xi32>
    %convert_element_type3A_194 = arith.sitofp %convert_element_type3A_193 : vector<512x1xi32> to vector<512x1xf32>
    %slice3A_195 = vector.extract_strided_slice %get3A_168 {offsets = [0, 64], sizes = [512, 32], strides = [1, 1]} : vector<512x128xf32> to vector<512x32xf32>
    %mul3A_196 = vector.broadcast %convert_element_type3A_194 : vector<512x1xf32> to vector<512x32xf32>
    %mul3A_197 = arith.mulf %mul3A_196, %slice3A_195 : vector<512x32xf32>
    %add3A_198 = arith.addf %add3A_189, %mul3A_197 : vector<512x32xf32>
    %eq3A_199 = arith.constant 3 : i32
    %eq3A_200 = vector.broadcast %eq3A_199 : i32 to vector<512x1xi32>
    %eq3A_201 = arith.cmpi eq, %and3A_172, %eq3A_200 : vector<512x1xi32>
    %convert_element_type3A_202 = arith.extui %eq3A_201 : vector<512x1xi1> to vector<512x1xi32>
    %convert_element_type3A_203 = arith.sitofp %convert_element_type3A_202 : vector<512x1xi32> to vector<512x1xf32>
    %slice3A_204 = vector.extract_strided_slice %get3A_168 {offsets = [0, 96], sizes = [512, 32], strides = [1, 1]} : vector<512x128xf32> to vector<512x32xf32>
    %mul3A_205 = vector.broadcast %convert_element_type3A_203 : vector<512x1xf32> to vector<512x32xf32>
    %mul3A_206 = arith.mulf %mul3A_205, %slice3A_204 : vector<512x32xf32>
    %add3A_207 = arith.addf %add3A_198, %mul3A_206 : vector<512x32xf32>
    %sub3A_208 = arith.subf %get3A_1, %add3A_207 : vector<512x32xf32>
    %mul3A_209 = arith.mulf %sub3A_208, %sub3A_208 : vector<512x32xf32>
    %slice3A_210 = vector.extract_strided_slice %mul3A_209 {offsets = [0, 0], sizes = [512, 4], strides = [1, 1]} : vector<512x32xf32> to vector<512x4xf32>
    %slice3A_211 = vector.extract_strided_slice %mul3A_209 {offsets = [0, 4], sizes = [512, 4], strides = [1, 1]} : vector<512x32xf32> to vector<512x4xf32>
    %add3A_212 = arith.addf %slice3A_210, %slice3A_211 : vector<512x4xf32>
    %slice3A_213 = vector.extract_strided_slice %add3A_212 {offsets = [0, 0], sizes = [512, 2], strides = [1, 1]} : vector<512x4xf32> to vector<512x2xf32>
    %slice3A_214 = vector.extract_strided_slice %add3A_212 {offsets = [0, 2], sizes = [512, 2], strides = [1, 1]} : vector<512x4xf32> to vector<512x2xf32>
    %add3A_215 = arith.addf %slice3A_213, %slice3A_214 : vector<512x2xf32>
    %slice3A_216 = vector.extract_strided_slice %add3A_215 {offsets = [0, 0], sizes = [512, 1], strides = [1, 1]} : vector<512x2xf32> to vector<512x1xf32>
    %slice3A_217 = vector.extract_strided_slice %add3A_215 {offsets = [0, 1], sizes = [512, 1], strides = [1, 1]} : vector<512x2xf32> to vector<512x1xf32>
    %add3A_218 = arith.addf %slice3A_216, %slice3A_217 : vector<512x1xf32>
    %slice3A_219 = vector.extract_strided_slice %mul3A_209 {offsets = [0, 8], sizes = [512, 4], strides = [1, 1]} : vector<512x32xf32> to vector<512x4xf32>
    %slice3A_220 = vector.extract_strided_slice %mul3A_209 {offsets = [0, 12], sizes = [512, 4], strides = [1, 1]} : vector<512x32xf32> to vector<512x4xf32>
    %add3A_221 = arith.addf %slice3A_219, %slice3A_220 : vector<512x4xf32>
    %slice3A_222 = vector.extract_strided_slice %add3A_221 {offsets = [0, 0], sizes = [512, 2], strides = [1, 1]} : vector<512x4xf32> to vector<512x2xf32>
    %slice3A_223 = vector.extract_strided_slice %add3A_221 {offsets = [0, 2], sizes = [512, 2], strides = [1, 1]} : vector<512x4xf32> to vector<512x2xf32>
    %add3A_224 = arith.addf %slice3A_222, %slice3A_223 : vector<512x2xf32>
    %slice3A_225 = vector.extract_strided_slice %add3A_224 {offsets = [0, 0], sizes = [512, 1], strides = [1, 1]} : vector<512x2xf32> to vector<512x1xf32>
    %slice3A_226 = vector.extract_strided_slice %add3A_224 {offsets = [0, 1], sizes = [512, 1], strides = [1, 1]} : vector<512x2xf32> to vector<512x1xf32>
    %add3A_227 = arith.addf %slice3A_225, %slice3A_226 : vector<512x1xf32>
    %add3A_228 = arith.addf %add3A_218, %add3A_227 : vector<512x1xf32>
    %slice3A_229 = vector.extract_strided_slice %mul3A_209 {offsets = [0, 16], sizes = [512, 4], strides = [1, 1]} : vector<512x32xf32> to vector<512x4xf32>
    %slice3A_230 = vector.extract_strided_slice %mul3A_209 {offsets = [0, 20], sizes = [512, 4], strides = [1, 1]} : vector<512x32xf32> to vector<512x4xf32>
    %add3A_231 = arith.addf %slice3A_229, %slice3A_230 : vector<512x4xf32>
    %slice3A_232 = vector.extract_strided_slice %add3A_231 {offsets = [0, 0], sizes = [512, 2], strides = [1, 1]} : vector<512x4xf32> to vector<512x2xf32>
    %slice3A_233 = vector.extract_strided_slice %add3A_231 {offsets = [0, 2], sizes = [512, 2], strides = [1, 1]} : vector<512x4xf32> to vector<512x2xf32>
    %add3A_234 = arith.addf %slice3A_232, %slice3A_233 : vector<512x2xf32>
    %slice3A_235 = vector.extract_strided_slice %add3A_234 {offsets = [0, 0], sizes = [512, 1], strides = [1, 1]} : vector<512x2xf32> to vector<512x1xf32>
    %slice3A_236 = vector.extract_strided_slice %add3A_234 {offsets = [0, 1], sizes = [512, 1], strides = [1, 1]} : vector<512x2xf32> to vector<512x1xf32>
    %add3A_237 = arith.addf %slice3A_235, %slice3A_236 : vector<512x1xf32>
    %add3A_238 = arith.addf %add3A_228, %add3A_237 : vector<512x1xf32>
    %slice3A_239 = vector.extract_strided_slice %mul3A_209 {offsets = [0, 24], sizes = [512, 4], strides = [1, 1]} : vector<512x32xf32> to vector<512x4xf32>
    %slice3A_240 = vector.extract_strided_slice %mul3A_209 {offsets = [0, 28], sizes = [512, 4], strides = [1, 1]} : vector<512x32xf32> to vector<512x4xf32>
    %add3A_241 = arith.addf %slice3A_239, %slice3A_240 : vector<512x4xf32>
    %slice3A_242 = vector.extract_strided_slice %add3A_241 {offsets = [0, 0], sizes = [512, 2], strides = [1, 1]} : vector<512x4xf32> to vector<512x2xf32>
    %slice3A_243 = vector.extract_strided_slice %add3A_241 {offsets = [0, 2], sizes = [512, 2], strides = [1, 1]} : vector<512x4xf32> to vector<512x2xf32>
    %add3A_244 = arith.addf %slice3A_242, %slice3A_243 : vector<512x2xf32>
    %slice3A_245 = vector.extract_strided_slice %add3A_244 {offsets = [0, 0], sizes = [512, 1], strides = [1, 1]} : vector<512x2xf32> to vector<512x1xf32>
    %slice3A_246 = vector.extract_strided_slice %add3A_244 {offsets = [0, 1], sizes = [512, 1], strides = [1, 1]} : vector<512x2xf32> to vector<512x1xf32>
    %add3A_247 = arith.addf %slice3A_245, %slice3A_246 : vector<512x1xf32>
    %add3A_248 = arith.addf %add3A_238, %add3A_247 : vector<512x1xf32>
    %lt3A_249 = arith.cmpf olt, %add3A_248, %select_n3A : vector<512x1xf32>
    %select_n3A_250 = arith.select %lt3A_249, %add3A_248, %select_n3A : vector<512x1xi1>, vector<512x1xf32>
    %broadcast_in_dim3A_251 = vector.shape_cast %lt3A_249 : vector<512x1xi1> to vector<512x1xi1>
    %broadcast_in_dim3A_252 = vector.broadcast %broadcast_in_dim3A_251 : vector<512x1xi1> to vector<512x32xi1>
    %select_n3A_253 = arith.select %broadcast_in_dim3A_252, %add3A_207, %select_n3A_165 : vector<512x32xi1>, vector<512x32xf32>
    %get3A_254 = arith.constant 1536 : index
    %get3A_255 = arith.constant 0 : index
    %get3A_256 = vector.load %arg1[%get3A_254, %get3A_255] : memref<6144x128xf32, #tpu.memory_space<vmem>>, vector<512x128xf32>
    %slice3A_257 = vector.extract_strided_slice %get3A_4 {offsets = [0, 3], sizes = [512, 1], strides = [1, 1]} : vector<512x12xi32> to vector<512x1xi32>
    %and3A_258 = arith.constant 3 : i32
    %and3A_259 = vector.broadcast %and3A_258 : i32 to vector<512x1xi32>
    %and3A_260 = arith.andi %slice3A_257, %and3A_259 : vector<512x1xi32>
    %eq3A_261 = arith.constant 0 : i32
    %eq3A_262 = vector.broadcast %eq3A_261 : i32 to vector<512x1xi32>
    %eq3A_263 = arith.cmpi eq, %and3A_260, %eq3A_262 : vector<512x1xi32>
    %convert_element_type3A_264 = arith.extui %eq3A_263 : vector<512x1xi1> to vector<512x1xi32>
    %convert_element_type3A_265 = arith.sitofp %convert_element_type3A_264 : vector<512x1xi32> to vector<512x1xf32>
    %slice3A_266 = vector.extract_strided_slice %get3A_256 {offsets = [0, 0], sizes = [512, 32], strides = [1, 1]} : vector<512x128xf32> to vector<512x32xf32>
    %mul3A_267 = vector.broadcast %convert_element_type3A_265 : vector<512x1xf32> to vector<512x32xf32>
    %mul3A_268 = arith.mulf %mul3A_267, %slice3A_266 : vector<512x32xf32>
    %eq3A_269 = arith.constant 1 : i32
    %eq3A_270 = vector.broadcast %eq3A_269 : i32 to vector<512x1xi32>
    %eq3A_271 = arith.cmpi eq, %and3A_260, %eq3A_270 : vector<512x1xi32>
    %convert_element_type3A_272 = arith.extui %eq3A_271 : vector<512x1xi1> to vector<512x1xi32>
    %convert_element_type3A_273 = arith.sitofp %convert_element_type3A_272 : vector<512x1xi32> to vector<512x1xf32>
    %slice3A_274 = vector.extract_strided_slice %get3A_256 {offsets = [0, 32], sizes = [512, 32], strides = [1, 1]} : vector<512x128xf32> to vector<512x32xf32>
    %mul3A_275 = vector.broadcast %convert_element_type3A_273 : vector<512x1xf32> to vector<512x32xf32>
    %mul3A_276 = arith.mulf %mul3A_275, %slice3A_274 : vector<512x32xf32>
    %add3A_277 = arith.addf %mul3A_268, %mul3A_276 : vector<512x32xf32>
    %eq3A_278 = arith.constant 2 : i32
    %eq3A_279 = vector.broadcast %eq3A_278 : i32 to vector<512x1xi32>
    %eq3A_280 = arith.cmpi eq, %and3A_260, %eq3A_279 : vector<512x1xi32>
    %convert_element_type3A_281 = arith.extui %eq3A_280 : vector<512x1xi1> to vector<512x1xi32>
    %convert_element_type3A_282 = arith.sitofp %convert_element_type3A_281 : vector<512x1xi32> to vector<512x1xf32>
    %slice3A_283 = vector.extract_strided_slice %get3A_256 {offsets = [0, 64], sizes = [512, 32], strides = [1, 1]} : vector<512x128xf32> to vector<512x32xf32>
    %mul3A_284 = vector.broadcast %convert_element_type3A_282 : vector<512x1xf32> to vector<512x32xf32>
    %mul3A_285 = arith.mulf %mul3A_284, %slice3A_283 : vector<512x32xf32>
    %add3A_286 = arith.addf %add3A_277, %mul3A_285 : vector<512x32xf32>
    %eq3A_287 = arith.constant 3 : i32
    %eq3A_288 = vector.broadcast %eq3A_287 : i32 to vector<512x1xi32>
    %eq3A_289 = arith.cmpi eq, %and3A_260, %eq3A_288 : vector<512x1xi32>
    %convert_element_type3A_290 = arith.extui %eq3A_289 : vector<512x1xi1> to vector<512x1xi32>
    %convert_element_type3A_291 = arith.sitofp %convert_element_type3A_290 : vector<512x1xi32> to vector<512x1xf32>
    %slice3A_292 = vector.extract_strided_slice %get3A_256 {offsets = [0, 96], sizes = [512, 32], strides = [1, 1]} : vector<512x128xf32> to vector<512x32xf32>
    %mul3A_293 = vector.broadcast %convert_element_type3A_291 : vector<512x1xf32> to vector<512x32xf32>
    %mul3A_294 = arith.mulf %mul3A_293, %slice3A_292 : vector<512x32xf32>
    %add3A_295 = arith.addf %add3A_286, %mul3A_294 : vector<512x32xf32>
    %sub3A_296 = arith.subf %get3A_1, %add3A_295 : vector<512x32xf32>
    %mul3A_297 = arith.mulf %sub3A_296, %sub3A_296 : vector<512x32xf32>
    %slice3A_298 = vector.extract_strided_slice %mul3A_297 {offsets = [0, 0], sizes = [512, 4], strides = [1, 1]} : vector<512x32xf32> to vector<512x4xf32>
    %slice3A_299 = vector.extract_strided_slice %mul3A_297 {offsets = [0, 4], sizes = [512, 4], strides = [1, 1]} : vector<512x32xf32> to vector<512x4xf32>
    %add3A_300 = arith.addf %slice3A_298, %slice3A_299 : vector<512x4xf32>
    %slice3A_301 = vector.extract_strided_slice %add3A_300 {offsets = [0, 0], sizes = [512, 2], strides = [1, 1]} : vector<512x4xf32> to vector<512x2xf32>
    %slice3A_302 = vector.extract_strided_slice %add3A_300 {offsets = [0, 2], sizes = [512, 2], strides = [1, 1]} : vector<512x4xf32> to vector<512x2xf32>
    %add3A_303 = arith.addf %slice3A_301, %slice3A_302 : vector<512x2xf32>
    %slice3A_304 = vector.extract_strided_slice %add3A_303 {offsets = [0, 0], sizes = [512, 1], strides = [1, 1]} : vector<512x2xf32> to vector<512x1xf32>
    %slice3A_305 = vector.extract_strided_slice %add3A_303 {offsets = [0, 1], sizes = [512, 1], strides = [1, 1]} : vector<512x2xf32> to vector<512x1xf32>
    %add3A_306 = arith.addf %slice3A_304, %slice3A_305 : vector<512x1xf32>
    %slice3A_307 = vector.extract_strided_slice %mul3A_297 {offsets = [0, 8], sizes = [512, 4], strides = [1, 1]} : vector<512x32xf32> to vector<512x4xf32>
    %slice3A_308 = vector.extract_strided_slice %mul3A_297 {offsets = [0, 12], sizes = [512, 4], strides = [1, 1]} : vector<512x32xf32> to vector<512x4xf32>
    %add3A_309 = arith.addf %slice3A_307, %slice3A_308 : vector<512x4xf32>
    %slice3A_310 = vector.extract_strided_slice %add3A_309 {offsets = [0, 0], sizes = [512, 2], strides = [1, 1]} : vector<512x4xf32> to vector<512x2xf32>
    %slice3A_311 = vector.extract_strided_slice %add3A_309 {offsets = [0, 2], sizes = [512, 2], strides = [1, 1]} : vector<512x4xf32> to vector<512x2xf32>
    %add3A_312 = arith.addf %slice3A_310, %slice3A_311 : vector<512x2xf32>
    %slice3A_313 = vector.extract_strided_slice %add3A_312 {offsets = [0, 0], sizes = [512, 1], strides = [1, 1]} : vector<512x2xf32> to vector<512x1xf32>
    %slice3A_314 = vector.extract_strided_slice %add3A_312 {offsets = [0, 1], sizes = [512, 1], strides = [1, 1]} : vector<512x2xf32> to vector<512x1xf32>
    %add3A_315 = arith.addf %slice3A_313, %slice3A_314 : vector<512x1xf32>
    %add3A_316 = arith.addf %add3A_306, %add3A_315 : vector<512x1xf32>
    %slice3A_317 = vector.extract_strided_slice %mul3A_297 {offsets = [0, 16], sizes = [512, 4], strides = [1, 1]} : vector<512x32xf32> to vector<512x4xf32>
    %slice3A_318 = vector.extract_strided_slice %mul3A_297 {offsets = [0, 20], sizes = [512, 4], strides = [1, 1]} : vector<512x32xf32> to vector<512x4xf32>
    %add3A_319 = arith.addf %slice3A_317, %slice3A_318 : vector<512x4xf32>
    %slice3A_320 = vector.extract_strided_slice %add3A_319 {offsets = [0, 0], sizes = [512, 2], strides = [1, 1]} : vector<512x4xf32> to vector<512x2xf32>
    %slice3A_321 = vector.extract_strided_slice %add3A_319 {offsets = [0, 2], sizes = [512, 2], strides = [1, 1]} : vector<512x4xf32> to vector<512x2xf32>
    %add3A_322 = arith.addf %slice3A_320, %slice3A_321 : vector<512x2xf32>
    %slice3A_323 = vector.extract_strided_slice %add3A_322 {offsets = [0, 0], sizes = [512, 1], strides = [1, 1]} : vector<512x2xf32> to vector<512x1xf32>
    %slice3A_324 = vector.extract_strided_slice %add3A_322 {offsets = [0, 1], sizes = [512, 1], strides = [1, 1]} : vector<512x2xf32> to vector<512x1xf32>
    %add3A_325 = arith.addf %slice3A_323, %slice3A_324 : vector<512x1xf32>
    %add3A_326 = arith.addf %add3A_316, %add3A_325 : vector<512x1xf32>
    %slice3A_327 = vector.extract_strided_slice %mul3A_297 {offsets = [0, 24], sizes = [512, 4], strides = [1, 1]} : vector<512x32xf32> to vector<512x4xf32>
    %slice3A_328 = vector.extract_strided_slice %mul3A_297 {offsets = [0, 28], sizes = [512, 4], strides = [1, 1]} : vector<512x32xf32> to vector<512x4xf32>
    %add3A_329 = arith.addf %slice3A_327, %slice3A_328 : vector<512x4xf32>
    %slice3A_330 = vector.extract_strided_slice %add3A_329 {offsets = [0, 0], sizes = [512, 2], strides = [1, 1]} : vector<512x4xf32> to vector<512x2xf32>
    %slice3A_331 = vector.extract_strided_slice %add3A_329 {offsets = [0, 2], sizes = [512, 2], strides = [1, 1]} : vector<512x4xf32> to vector<512x2xf32>
    %add3A_332 = arith.addf %slice3A_330, %slice3A_331 : vector<512x2xf32>
    %slice3A_333 = vector.extract_strided_slice %add3A_332 {offsets = [0, 0], sizes = [512, 1], strides = [1, 1]} : vector<512x2xf32> to vector<512x1xf32>
    %slice3A_334 = vector.extract_strided_slice %add3A_332 {offsets = [0, 1], sizes = [512, 1], strides = [1, 1]} : vector<512x2xf32> to vector<512x1xf32>
    %add3A_335 = arith.addf %slice3A_333, %slice3A_334 : vector<512x1xf32>
    %add3A_336 = arith.addf %add3A_326, %add3A_335 : vector<512x1xf32>
    %lt3A_337 = arith.cmpf olt, %add3A_336, %select_n3A_250 : vector<512x1xf32>
    %select_n3A_338 = arith.select %lt3A_337, %add3A_336, %select_n3A_250 : vector<512x1xi1>, vector<512x1xf32>
    %broadcast_in_dim3A_339 = vector.shape_cast %lt3A_337 : vector<512x1xi1> to vector<512x1xi1>
    %broadcast_in_dim3A_340 = vector.broadcast %broadcast_in_dim3A_339 : vector<512x1xi1> to vector<512x32xi1>
    %select_n3A_341 = arith.select %broadcast_in_dim3A_340, %add3A_295, %select_n3A_253 : vector<512x32xi1>, vector<512x32xf32>
    %get3A_342 = arith.constant 2048 : index
    %get3A_343 = arith.constant 0 : index
    %get3A_344 = vector.load %arg1[%get3A_342, %get3A_343] : memref<6144x128xf32, #tpu.memory_space<vmem>>, vector<512x128xf32>
    %slice3A_345 = vector.extract_strided_slice %get3A_4 {offsets = [0, 4], sizes = [512, 1], strides = [1, 1]} : vector<512x12xi32> to vector<512x1xi32>
    %and3A_346 = arith.constant 3 : i32
    %and3A_347 = vector.broadcast %and3A_346 : i32 to vector<512x1xi32>
    %and3A_348 = arith.andi %slice3A_345, %and3A_347 : vector<512x1xi32>
    %eq3A_349 = arith.constant 0 : i32
    %eq3A_350 = vector.broadcast %eq3A_349 : i32 to vector<512x1xi32>
    %eq3A_351 = arith.cmpi eq, %and3A_348, %eq3A_350 : vector<512x1xi32>
    %convert_element_type3A_352 = arith.extui %eq3A_351 : vector<512x1xi1> to vector<512x1xi32>
    %convert_element_type3A_353 = arith.sitofp %convert_element_type3A_352 : vector<512x1xi32> to vector<512x1xf32>
    %slice3A_354 = vector.extract_strided_slice %get3A_344 {offsets = [0, 0], sizes = [512, 32], strides = [1, 1]} : vector<512x128xf32> to vector<512x32xf32>
    %mul3A_355 = vector.broadcast %convert_element_type3A_353 : vector<512x1xf32> to vector<512x32xf32>
    %mul3A_356 = arith.mulf %mul3A_355, %slice3A_354 : vector<512x32xf32>
    %eq3A_357 = arith.constant 1 : i32
    %eq3A_358 = vector.broadcast %eq3A_357 : i32 to vector<512x1xi32>
    %eq3A_359 = arith.cmpi eq, %and3A_348, %eq3A_358 : vector<512x1xi32>
    %convert_element_type3A_360 = arith.extui %eq3A_359 : vector<512x1xi1> to vector<512x1xi32>
    %convert_element_type3A_361 = arith.sitofp %convert_element_type3A_360 : vector<512x1xi32> to vector<512x1xf32>
    %slice3A_362 = vector.extract_strided_slice %get3A_344 {offsets = [0, 32], sizes = [512, 32], strides = [1, 1]} : vector<512x128xf32> to vector<512x32xf32>
    %mul3A_363 = vector.broadcast %convert_element_type3A_361 : vector<512x1xf32> to vector<512x32xf32>
    %mul3A_364 = arith.mulf %mul3A_363, %slice3A_362 : vector<512x32xf32>
    %add3A_365 = arith.addf %mul3A_356, %mul3A_364 : vector<512x32xf32>
    %eq3A_366 = arith.constant 2 : i32
    %eq3A_367 = vector.broadcast %eq3A_366 : i32 to vector<512x1xi32>
    %eq3A_368 = arith.cmpi eq, %and3A_348, %eq3A_367 : vector<512x1xi32>
    %convert_element_type3A_369 = arith.extui %eq3A_368 : vector<512x1xi1> to vector<512x1xi32>
    %convert_element_type3A_370 = arith.sitofp %convert_element_type3A_369 : vector<512x1xi32> to vector<512x1xf32>
    %slice3A_371 = vector.extract_strided_slice %get3A_344 {offsets = [0, 64], sizes = [512, 32], strides = [1, 1]} : vector<512x128xf32> to vector<512x32xf32>
    %mul3A_372 = vector.broadcast %convert_element_type3A_370 : vector<512x1xf32> to vector<512x32xf32>
    %mul3A_373 = arith.mulf %mul3A_372, %slice3A_371 : vector<512x32xf32>
    %add3A_374 = arith.addf %add3A_365, %mul3A_373 : vector<512x32xf32>
    %eq3A_375 = arith.constant 3 : i32
    %eq3A_376 = vector.broadcast %eq3A_375 : i32 to vector<512x1xi32>
    %eq3A_377 = arith.cmpi eq, %and3A_348, %eq3A_376 : vector<512x1xi32>
    %convert_element_type3A_378 = arith.extui %eq3A_377 : vector<512x1xi1> to vector<512x1xi32>
    %convert_element_type3A_379 = arith.sitofp %convert_element_type3A_378 : vector<512x1xi32> to vector<512x1xf32>
    %slice3A_380 = vector.extract_strided_slice %get3A_344 {offsets = [0, 96], sizes = [512, 32], strides = [1, 1]} : vector<512x128xf32> to vector<512x32xf32>
    %mul3A_381 = vector.broadcast %convert_element_type3A_379 : vector<512x1xf32> to vector<512x32xf32>
    %mul3A_382 = arith.mulf %mul3A_381, %slice3A_380 : vector<512x32xf32>
    %add3A_383 = arith.addf %add3A_374, %mul3A_382 : vector<512x32xf32>
    %sub3A_384 = arith.subf %get3A_1, %add3A_383 : vector<512x32xf32>
    %mul3A_385 = arith.mulf %sub3A_384, %sub3A_384 : vector<512x32xf32>
    %slice3A_386 = vector.extract_strided_slice %mul3A_385 {offsets = [0, 0], sizes = [512, 4], strides = [1, 1]} : vector<512x32xf32> to vector<512x4xf32>
    %slice3A_387 = vector.extract_strided_slice %mul3A_385 {offsets = [0, 4], sizes = [512, 4], strides = [1, 1]} : vector<512x32xf32> to vector<512x4xf32>
    %add3A_388 = arith.addf %slice3A_386, %slice3A_387 : vector<512x4xf32>
    %slice3A_389 = vector.extract_strided_slice %add3A_388 {offsets = [0, 0], sizes = [512, 2], strides = [1, 1]} : vector<512x4xf32> to vector<512x2xf32>
    %slice3A_390 = vector.extract_strided_slice %add3A_388 {offsets = [0, 2], sizes = [512, 2], strides = [1, 1]} : vector<512x4xf32> to vector<512x2xf32>
    %add3A_391 = arith.addf %slice3A_389, %slice3A_390 : vector<512x2xf32>
    %slice3A_392 = vector.extract_strided_slice %add3A_391 {offsets = [0, 0], sizes = [512, 1], strides = [1, 1]} : vector<512x2xf32> to vector<512x1xf32>
    %slice3A_393 = vector.extract_strided_slice %add3A_391 {offsets = [0, 1], sizes = [512, 1], strides = [1, 1]} : vector<512x2xf32> to vector<512x1xf32>
    %add3A_394 = arith.addf %slice3A_392, %slice3A_393 : vector<512x1xf32>
    %slice3A_395 = vector.extract_strided_slice %mul3A_385 {offsets = [0, 8], sizes = [512, 4], strides = [1, 1]} : vector<512x32xf32> to vector<512x4xf32>
    %slice3A_396 = vector.extract_strided_slice %mul3A_385 {offsets = [0, 12], sizes = [512, 4], strides = [1, 1]} : vector<512x32xf32> to vector<512x4xf32>
    %add3A_397 = arith.addf %slice3A_395, %slice3A_396 : vector<512x4xf32>
    %slice3A_398 = vector.extract_strided_slice %add3A_397 {offsets = [0, 0], sizes = [512, 2], strides = [1, 1]} : vector<512x4xf32> to vector<512x2xf32>
    %slice3A_399 = vector.extract_strided_slice %add3A_397 {offsets = [0, 2], sizes = [512, 2], strides = [1, 1]} : vector<512x4xf32> to vector<512x2xf32>
    %add3A_400 = arith.addf %slice3A_398, %slice3A_399 : vector<512x2xf32>
    %slice3A_401 = vector.extract_strided_slice %add3A_400 {offsets = [0, 0], sizes = [512, 1], strides = [1, 1]} : vector<512x2xf32> to vector<512x1xf32>
    %slice3A_402 = vector.extract_strided_slice %add3A_400 {offsets = [0, 1], sizes = [512, 1], strides = [1, 1]} : vector<512x2xf32> to vector<512x1xf32>
    %add3A_403 = arith.addf %slice3A_401, %slice3A_402 : vector<512x1xf32>
    %add3A_404 = arith.addf %add3A_394, %add3A_403 : vector<512x1xf32>
    %slice3A_405 = vector.extract_strided_slice %mul3A_385 {offsets = [0, 16], sizes = [512, 4], strides = [1, 1]} : vector<512x32xf32> to vector<512x4xf32>
    %slice3A_406 = vector.extract_strided_slice %mul3A_385 {offsets = [0, 20], sizes = [512, 4], strides = [1, 1]} : vector<512x32xf32> to vector<512x4xf32>
    %add3A_407 = arith.addf %slice3A_405, %slice3A_406 : vector<512x4xf32>
    %slice3A_408 = vector.extract_strided_slice %add3A_407 {offsets = [0, 0], sizes = [512, 2], strides = [1, 1]} : vector<512x4xf32> to vector<512x2xf32>
    %slice3A_409 = vector.extract_strided_slice %add3A_407 {offsets = [0, 2], sizes = [512, 2], strides = [1, 1]} : vector<512x4xf32> to vector<512x2xf32>
    %add3A_410 = arith.addf %slice3A_408, %slice3A_409 : vector<512x2xf32>
    %slice3A_411 = vector.extract_strided_slice %add3A_410 {offsets = [0, 0], sizes = [512, 1], strides = [1, 1]} : vector<512x2xf32> to vector<512x1xf32>
    %slice3A_412 = vector.extract_strided_slice %add3A_410 {offsets = [0, 1], sizes = [512, 1], strides = [1, 1]} : vector<512x2xf32> to vector<512x1xf32>
    %add3A_413 = arith.addf %slice3A_411, %slice3A_412 : vector<512x1xf32>
    %add3A_414 = arith.addf %add3A_404, %add3A_413 : vector<512x1xf32>
    %slice3A_415 = vector.extract_strided_slice %mul3A_385 {offsets = [0, 24], sizes = [512, 4], strides = [1, 1]} : vector<512x32xf32> to vector<512x4xf32>
    %slice3A_416 = vector.extract_strided_slice %mul3A_385 {offsets = [0, 28], sizes = [512, 4], strides = [1, 1]} : vector<512x32xf32> to vector<512x4xf32>
    %add3A_417 = arith.addf %slice3A_415, %slice3A_416 : vector<512x4xf32>
    %slice3A_418 = vector.extract_strided_slice %add3A_417 {offsets = [0, 0], sizes = [512, 2], strides = [1, 1]} : vector<512x4xf32> to vector<512x2xf32>
    %slice3A_419 = vector.extract_strided_slice %add3A_417 {offsets = [0, 2], sizes = [512, 2], strides = [1, 1]} : vector<512x4xf32> to vector<512x2xf32>
    %add3A_420 = arith.addf %slice3A_418, %slice3A_419 : vector<512x2xf32>
    %slice3A_421 = vector.extract_strided_slice %add3A_420 {offsets = [0, 0], sizes = [512, 1], strides = [1, 1]} : vector<512x2xf32> to vector<512x1xf32>
    %slice3A_422 = vector.extract_strided_slice %add3A_420 {offsets = [0, 1], sizes = [512, 1], strides = [1, 1]} : vector<512x2xf32> to vector<512x1xf32>
    %add3A_423 = arith.addf %slice3A_421, %slice3A_422 : vector<512x1xf32>
    %add3A_424 = arith.addf %add3A_414, %add3A_423 : vector<512x1xf32>
    %lt3A_425 = arith.cmpf olt, %add3A_424, %select_n3A_338 : vector<512x1xf32>
    %select_n3A_426 = arith.select %lt3A_425, %add3A_424, %select_n3A_338 : vector<512x1xi1>, vector<512x1xf32>
    %broadcast_in_dim3A_427 = vector.shape_cast %lt3A_425 : vector<512x1xi1> to vector<512x1xi1>
    %broadcast_in_dim3A_428 = vector.broadcast %broadcast_in_dim3A_427 : vector<512x1xi1> to vector<512x32xi1>
    %select_n3A_429 = arith.select %broadcast_in_dim3A_428, %add3A_383, %select_n3A_341 : vector<512x32xi1>, vector<512x32xf32>
    %get3A_430 = arith.constant 2560 : index
    %get3A_431 = arith.constant 0 : index
    %get3A_432 = vector.load %arg1[%get3A_430, %get3A_431] : memref<6144x128xf32, #tpu.memory_space<vmem>>, vector<512x128xf32>
    %slice3A_433 = vector.extract_strided_slice %get3A_4 {offsets = [0, 5], sizes = [512, 1], strides = [1, 1]} : vector<512x12xi32> to vector<512x1xi32>
    %and3A_434 = arith.constant 3 : i32
    %and3A_435 = vector.broadcast %and3A_434 : i32 to vector<512x1xi32>
    %and3A_436 = arith.andi %slice3A_433, %and3A_435 : vector<512x1xi32>
    %eq3A_437 = arith.constant 0 : i32
    %eq3A_438 = vector.broadcast %eq3A_437 : i32 to vector<512x1xi32>
    %eq3A_439 = arith.cmpi eq, %and3A_436, %eq3A_438 : vector<512x1xi32>
    %convert_element_type3A_440 = arith.extui %eq3A_439 : vector<512x1xi1> to vector<512x1xi32>
    %convert_element_type3A_441 = arith.sitofp %convert_element_type3A_440 : vector<512x1xi32> to vector<512x1xf32>
    %slice3A_442 = vector.extract_strided_slice %get3A_432 {offsets = [0, 0], sizes = [512, 32], strides = [1, 1]} : vector<512x128xf32> to vector<512x32xf32>
    %mul3A_443 = vector.broadcast %convert_element_type3A_441 : vector<512x1xf32> to vector<512x32xf32>
    %mul3A_444 = arith.mulf %mul3A_443, %slice3A_442 : vector<512x32xf32>
    %eq3A_445 = arith.constant 1 : i32
    %eq3A_446 = vector.broadcast %eq3A_445 : i32 to vector<512x1xi32>
    %eq3A_447 = arith.cmpi eq, %and3A_436, %eq3A_446 : vector<512x1xi32>
    %convert_element_type3A_448 = arith.extui %eq3A_447 : vector<512x1xi1> to vector<512x1xi32>
    %convert_element_type3A_449 = arith.sitofp %convert_element_type3A_448 : vector<512x1xi32> to vector<512x1xf32>
    %slice3A_450 = vector.extract_strided_slice %get3A_432 {offsets = [0, 32], sizes = [512, 32], strides = [1, 1]} : vector<512x128xf32> to vector<512x32xf32>
    %mul3A_451 = vector.broadcast %convert_element_type3A_449 : vector<512x1xf32> to vector<512x32xf32>
    %mul3A_452 = arith.mulf %mul3A_451, %slice3A_450 : vector<512x32xf32>
    %add3A_453 = arith.addf %mul3A_444, %mul3A_452 : vector<512x32xf32>
    %eq3A_454 = arith.constant 2 : i32
    %eq3A_455 = vector.broadcast %eq3A_454 : i32 to vector<512x1xi32>
    %eq3A_456 = arith.cmpi eq, %and3A_436, %eq3A_455 : vector<512x1xi32>
    %convert_element_type3A_457 = arith.extui %eq3A_456 : vector<512x1xi1> to vector<512x1xi32>
    %convert_element_type3A_458 = arith.sitofp %convert_element_type3A_457 : vector<512x1xi32> to vector<512x1xf32>
    %slice3A_459 = vector.extract_strided_slice %get3A_432 {offsets = [0, 64], sizes = [512, 32], strides = [1, 1]} : vector<512x128xf32> to vector<512x32xf32>
    %mul3A_460 = vector.broadcast %convert_element_type3A_458 : vector<512x1xf32> to vector<512x32xf32>
    %mul3A_461 = arith.mulf %mul3A_460, %slice3A_459 : vector<512x32xf32>
    %add3A_462 = arith.addf %add3A_453, %mul3A_461 : vector<512x32xf32>
    %eq3A_463 = arith.constant 3 : i32
    %eq3A_464 = vector.broadcast %eq3A_463 : i32 to vector<512x1xi32>
    %eq3A_465 = arith.cmpi eq, %and3A_436, %eq3A_464 : vector<512x1xi32>
    %convert_element_type3A_466 = arith.extui %eq3A_465 : vector<512x1xi1> to vector<512x1xi32>
    %convert_element_type3A_467 = arith.sitofp %convert_element_type3A_466 : vector<512x1xi32> to vector<512x1xf32>
    %slice3A_468 = vector.extract_strided_slice %get3A_432 {offsets = [0, 96], sizes = [512, 32], strides = [1, 1]} : vector<512x128xf32> to vector<512x32xf32>
    %mul3A_469 = vector.broadcast %convert_element_type3A_467 : vector<512x1xf32> to vector<512x32xf32>
    %mul3A_470 = arith.mulf %mul3A_469, %slice3A_468 : vector<512x32xf32>
    %add3A_471 = arith.addf %add3A_462, %mul3A_470 : vector<512x32xf32>
    %sub3A_472 = arith.subf %get3A_1, %add3A_471 : vector<512x32xf32>
    %mul3A_473 = arith.mulf %sub3A_472, %sub3A_472 : vector<512x32xf32>
    %slice3A_474 = vector.extract_strided_slice %mul3A_473 {offsets = [0, 0], sizes = [512, 4], strides = [1, 1]} : vector<512x32xf32> to vector<512x4xf32>
    %slice3A_475 = vector.extract_strided_slice %mul3A_473 {offsets = [0, 4], sizes = [512, 4], strides = [1, 1]} : vector<512x32xf32> to vector<512x4xf32>
    %add3A_476 = arith.addf %slice3A_474, %slice3A_475 : vector<512x4xf32>
    %slice3A_477 = vector.extract_strided_slice %add3A_476 {offsets = [0, 0], sizes = [512, 2], strides = [1, 1]} : vector<512x4xf32> to vector<512x2xf32>
    %slice3A_478 = vector.extract_strided_slice %add3A_476 {offsets = [0, 2], sizes = [512, 2], strides = [1, 1]} : vector<512x4xf32> to vector<512x2xf32>
    %add3A_479 = arith.addf %slice3A_477, %slice3A_478 : vector<512x2xf32>
    %slice3A_480 = vector.extract_strided_slice %add3A_479 {offsets = [0, 0], sizes = [512, 1], strides = [1, 1]} : vector<512x2xf32> to vector<512x1xf32>
    %slice3A_481 = vector.extract_strided_slice %add3A_479 {offsets = [0, 1], sizes = [512, 1], strides = [1, 1]} : vector<512x2xf32> to vector<512x1xf32>
    %add3A_482 = arith.addf %slice3A_480, %slice3A_481 : vector<512x1xf32>
    %slice3A_483 = vector.extract_strided_slice %mul3A_473 {offsets = [0, 8], sizes = [512, 4], strides = [1, 1]} : vector<512x32xf32> to vector<512x4xf32>
    %slice3A_484 = vector.extract_strided_slice %mul3A_473 {offsets = [0, 12], sizes = [512, 4], strides = [1, 1]} : vector<512x32xf32> to vector<512x4xf32>
    %add3A_485 = arith.addf %slice3A_483, %slice3A_484 : vector<512x4xf32>
    %slice3A_486 = vector.extract_strided_slice %add3A_485 {offsets = [0, 0], sizes = [512, 2], strides = [1, 1]} : vector<512x4xf32> to vector<512x2xf32>
    %slice3A_487 = vector.extract_strided_slice %add3A_485 {offsets = [0, 2], sizes = [512, 2], strides = [1, 1]} : vector<512x4xf32> to vector<512x2xf32>
    %add3A_488 = arith.addf %slice3A_486, %slice3A_487 : vector<512x2xf32>
    %slice3A_489 = vector.extract_strided_slice %add3A_488 {offsets = [0, 0], sizes = [512, 1], strides = [1, 1]} : vector<512x2xf32> to vector<512x1xf32>
    %slice3A_490 = vector.extract_strided_slice %add3A_488 {offsets = [0, 1], sizes = [512, 1], strides = [1, 1]} : vector<512x2xf32> to vector<512x1xf32>
    %add3A_491 = arith.addf %slice3A_489, %slice3A_490 : vector<512x1xf32>
    %add3A_492 = arith.addf %add3A_482, %add3A_491 : vector<512x1xf32>
    %slice3A_493 = vector.extract_strided_slice %mul3A_473 {offsets = [0, 16], sizes = [512, 4], strides = [1, 1]} : vector<512x32xf32> to vector<512x4xf32>
    %slice3A_494 = vector.extract_strided_slice %mul3A_473 {offsets = [0, 20], sizes = [512, 4], strides = [1, 1]} : vector<512x32xf32> to vector<512x4xf32>
    %add3A_495 = arith.addf %slice3A_493, %slice3A_494 : vector<512x4xf32>
    %slice3A_496 = vector.extract_strided_slice %add3A_495 {offsets = [0, 0], sizes = [512, 2], strides = [1, 1]} : vector<512x4xf32> to vector<512x2xf32>
    %slice3A_497 = vector.extract_strided_slice %add3A_495 {offsets = [0, 2], sizes = [512, 2], strides = [1, 1]} : vector<512x4xf32> to vector<512x2xf32>
    %add3A_498 = arith.addf %slice3A_496, %slice3A_497 : vector<512x2xf32>
    %slice3A_499 = vector.extract_strided_slice %add3A_498 {offsets = [0, 0], sizes = [512, 1], strides = [1, 1]} : vector<512x2xf32> to vector<512x1xf32>
    %slice3A_500 = vector.extract_strided_slice %add3A_498 {offsets = [0, 1], sizes = [512, 1], strides = [1, 1]} : vector<512x2xf32> to vector<512x1xf32>
    %add3A_501 = arith.addf %slice3A_499, %slice3A_500 : vector<512x1xf32>
    %add3A_502 = arith.addf %add3A_492, %add3A_501 : vector<512x1xf32>
    %slice3A_503 = vector.extract_strided_slice %mul3A_473 {offsets = [0, 24], sizes = [512, 4], strides = [1, 1]} : vector<512x32xf32> to vector<512x4xf32>
    %slice3A_504 = vector.extract_strided_slice %mul3A_473 {offsets = [0, 28], sizes = [512, 4], strides = [1, 1]} : vector<512x32xf32> to vector<512x4xf32>
    %add3A_505 = arith.addf %slice3A_503, %slice3A_504 : vector<512x4xf32>
    %slice3A_506 = vector.extract_strided_slice %add3A_505 {offsets = [0, 0], sizes = [512, 2], strides = [1, 1]} : vector<512x4xf32> to vector<512x2xf32>
    %slice3A_507 = vector.extract_strided_slice %add3A_505 {offsets = [0, 2], sizes = [512, 2], strides = [1, 1]} : vector<512x4xf32> to vector<512x2xf32>
    %add3A_508 = arith.addf %slice3A_506, %slice3A_507 : vector<512x2xf32>
    %slice3A_509 = vector.extract_strided_slice %add3A_508 {offsets = [0, 0], sizes = [512, 1], strides = [1, 1]} : vector<512x2xf32> to vector<512x1xf32>
    %slice3A_510 = vector.extract_strided_slice %add3A_508 {offsets = [0, 1], sizes = [512, 1], strides = [1, 1]} : vector<512x2xf32> to vector<512x1xf32>
    %add3A_511 = arith.addf %slice3A_509, %slice3A_510 : vector<512x1xf32>
    %add3A_512 = arith.addf %add3A_502, %add3A_511 : vector<512x1xf32>
    %lt3A_513 = arith.cmpf olt, %add3A_512, %select_n3A_426 : vector<512x1xf32>
    %select_n3A_514 = arith.select %lt3A_513, %add3A_512, %select_n3A_426 : vector<512x1xi1>, vector<512x1xf32>
    %broadcast_in_dim3A_515 = vector.shape_cast %lt3A_513 : vector<512x1xi1> to vector<512x1xi1>
    %broadcast_in_dim3A_516 = vector.broadcast %broadcast_in_dim3A_515 : vector<512x1xi1> to vector<512x32xi1>
    %select_n3A_517 = arith.select %broadcast_in_dim3A_516, %add3A_471, %select_n3A_429 : vector<512x32xi1>, vector<512x32xf32>
    %get3A_518 = arith.constant 3072 : index
    %get3A_519 = arith.constant 0 : index
    %get3A_520 = vector.load %arg1[%get3A_518, %get3A_519] : memref<6144x128xf32, #tpu.memory_space<vmem>>, vector<512x128xf32>
    %slice3A_521 = vector.extract_strided_slice %get3A_4 {offsets = [0, 6], sizes = [512, 1], strides = [1, 1]} : vector<512x12xi32> to vector<512x1xi32>
    %and3A_522 = arith.constant 3 : i32
    %and3A_523 = vector.broadcast %and3A_522 : i32 to vector<512x1xi32>
    %and3A_524 = arith.andi %slice3A_521, %and3A_523 : vector<512x1xi32>
    %eq3A_525 = arith.constant 0 : i32
    %eq3A_526 = vector.broadcast %eq3A_525 : i32 to vector<512x1xi32>
    %eq3A_527 = arith.cmpi eq, %and3A_524, %eq3A_526 : vector<512x1xi32>
    %convert_element_type3A_528 = arith.extui %eq3A_527 : vector<512x1xi1> to vector<512x1xi32>
    %convert_element_type3A_529 = arith.sitofp %convert_element_type3A_528 : vector<512x1xi32> to vector<512x1xf32>
    %slice3A_530 = vector.extract_strided_slice %get3A_520 {offsets = [0, 0], sizes = [512, 32], strides = [1, 1]} : vector<512x128xf32> to vector<512x32xf32>
    %mul3A_531 = vector.broadcast %convert_element_type3A_529 : vector<512x1xf32> to vector<512x32xf32>
    %mul3A_532 = arith.mulf %mul3A_531, %slice3A_530 : vector<512x32xf32>
    %eq3A_533 = arith.constant 1 : i32
    %eq3A_534 = vector.broadcast %eq3A_533 : i32 to vector<512x1xi32>
    %eq3A_535 = arith.cmpi eq, %and3A_524, %eq3A_534 : vector<512x1xi32>
    %convert_element_type3A_536 = arith.extui %eq3A_535 : vector<512x1xi1> to vector<512x1xi32>
    %convert_element_type3A_537 = arith.sitofp %convert_element_type3A_536 : vector<512x1xi32> to vector<512x1xf32>
    %slice3A_538 = vector.extract_strided_slice %get3A_520 {offsets = [0, 32], sizes = [512, 32], strides = [1, 1]} : vector<512x128xf32> to vector<512x32xf32>
    %mul3A_539 = vector.broadcast %convert_element_type3A_537 : vector<512x1xf32> to vector<512x32xf32>
    %mul3A_540 = arith.mulf %mul3A_539, %slice3A_538 : vector<512x32xf32>
    %add3A_541 = arith.addf %mul3A_532, %mul3A_540 : vector<512x32xf32>
    %eq3A_542 = arith.constant 2 : i32
    %eq3A_543 = vector.broadcast %eq3A_542 : i32 to vector<512x1xi32>
    %eq3A_544 = arith.cmpi eq, %and3A_524, %eq3A_543 : vector<512x1xi32>
    %convert_element_type3A_545 = arith.extui %eq3A_544 : vector<512x1xi1> to vector<512x1xi32>
    %convert_element_type3A_546 = arith.sitofp %convert_element_type3A_545 : vector<512x1xi32> to vector<512x1xf32>
    %slice3A_547 = vector.extract_strided_slice %get3A_520 {offsets = [0, 64], sizes = [512, 32], strides = [1, 1]} : vector<512x128xf32> to vector<512x32xf32>
    %mul3A_548 = vector.broadcast %convert_element_type3A_546 : vector<512x1xf32> to vector<512x32xf32>
    %mul3A_549 = arith.mulf %mul3A_548, %slice3A_547 : vector<512x32xf32>
    %add3A_550 = arith.addf %add3A_541, %mul3A_549 : vector<512x32xf32>
    %eq3A_551 = arith.constant 3 : i32
    %eq3A_552 = vector.broadcast %eq3A_551 : i32 to vector<512x1xi32>
    %eq3A_553 = arith.cmpi eq, %and3A_524, %eq3A_552 : vector<512x1xi32>
    %convert_element_type3A_554 = arith.extui %eq3A_553 : vector<512x1xi1> to vector<512x1xi32>
    %convert_element_type3A_555 = arith.sitofp %convert_element_type3A_554 : vector<512x1xi32> to vector<512x1xf32>
    %slice3A_556 = vector.extract_strided_slice %get3A_520 {offsets = [0, 96], sizes = [512, 32], strides = [1, 1]} : vector<512x128xf32> to vector<512x32xf32>
    %mul3A_557 = vector.broadcast %convert_element_type3A_555 : vector<512x1xf32> to vector<512x32xf32>
    %mul3A_558 = arith.mulf %mul3A_557, %slice3A_556 : vector<512x32xf32>
    %add3A_559 = arith.addf %add3A_550, %mul3A_558 : vector<512x32xf32>
    %sub3A_560 = arith.subf %get3A_1, %add3A_559 : vector<512x32xf32>
    %mul3A_561 = arith.mulf %sub3A_560, %sub3A_560 : vector<512x32xf32>
    %slice3A_562 = vector.extract_strided_slice %mul3A_561 {offsets = [0, 0], sizes = [512, 4], strides = [1, 1]} : vector<512x32xf32> to vector<512x4xf32>
    %slice3A_563 = vector.extract_strided_slice %mul3A_561 {offsets = [0, 4], sizes = [512, 4], strides = [1, 1]} : vector<512x32xf32> to vector<512x4xf32>
    %add3A_564 = arith.addf %slice3A_562, %slice3A_563 : vector<512x4xf32>
    %slice3A_565 = vector.extract_strided_slice %add3A_564 {offsets = [0, 0], sizes = [512, 2], strides = [1, 1]} : vector<512x4xf32> to vector<512x2xf32>
    %slice3A_566 = vector.extract_strided_slice %add3A_564 {offsets = [0, 2], sizes = [512, 2], strides = [1, 1]} : vector<512x4xf32> to vector<512x2xf32>
    %add3A_567 = arith.addf %slice3A_565, %slice3A_566 : vector<512x2xf32>
    %slice3A_568 = vector.extract_strided_slice %add3A_567 {offsets = [0, 0], sizes = [512, 1], strides = [1, 1]} : vector<512x2xf32> to vector<512x1xf32>
    %slice3A_569 = vector.extract_strided_slice %add3A_567 {offsets = [0, 1], sizes = [512, 1], strides = [1, 1]} : vector<512x2xf32> to vector<512x1xf32>
    %add3A_570 = arith.addf %slice3A_568, %slice3A_569 : vector<512x1xf32>
    %slice3A_571 = vector.extract_strided_slice %mul3A_561 {offsets = [0, 8], sizes = [512, 4], strides = [1, 1]} : vector<512x32xf32> to vector<512x4xf32>
    %slice3A_572 = vector.extract_strided_slice %mul3A_561 {offsets = [0, 12], sizes = [512, 4], strides = [1, 1]} : vector<512x32xf32> to vector<512x4xf32>
    %add3A_573 = arith.addf %slice3A_571, %slice3A_572 : vector<512x4xf32>
    %slice3A_574 = vector.extract_strided_slice %add3A_573 {offsets = [0, 0], sizes = [512, 2], strides = [1, 1]} : vector<512x4xf32> to vector<512x2xf32>
    %slice3A_575 = vector.extract_strided_slice %add3A_573 {offsets = [0, 2], sizes = [512, 2], strides = [1, 1]} : vector<512x4xf32> to vector<512x2xf32>
    %add3A_576 = arith.addf %slice3A_574, %slice3A_575 : vector<512x2xf32>
    %slice3A_577 = vector.extract_strided_slice %add3A_576 {offsets = [0, 0], sizes = [512, 1], strides = [1, 1]} : vector<512x2xf32> to vector<512x1xf32>
    %slice3A_578 = vector.extract_strided_slice %add3A_576 {offsets = [0, 1], sizes = [512, 1], strides = [1, 1]} : vector<512x2xf32> to vector<512x1xf32>
    %add3A_579 = arith.addf %slice3A_577, %slice3A_578 : vector<512x1xf32>
    %add3A_580 = arith.addf %add3A_570, %add3A_579 : vector<512x1xf32>
    %slice3A_581 = vector.extract_strided_slice %mul3A_561 {offsets = [0, 16], sizes = [512, 4], strides = [1, 1]} : vector<512x32xf32> to vector<512x4xf32>
    %slice3A_582 = vector.extract_strided_slice %mul3A_561 {offsets = [0, 20], sizes = [512, 4], strides = [1, 1]} : vector<512x32xf32> to vector<512x4xf32>
    %add3A_583 = arith.addf %slice3A_581, %slice3A_582 : vector<512x4xf32>
    %slice3A_584 = vector.extract_strided_slice %add3A_583 {offsets = [0, 0], sizes = [512, 2], strides = [1, 1]} : vector<512x4xf32> to vector<512x2xf32>
    %slice3A_585 = vector.extract_strided_slice %add3A_583 {offsets = [0, 2], sizes = [512, 2], strides = [1, 1]} : vector<512x4xf32> to vector<512x2xf32>
    %add3A_586 = arith.addf %slice3A_584, %slice3A_585 : vector<512x2xf32>
    %slice3A_587 = vector.extract_strided_slice %add3A_586 {offsets = [0, 0], sizes = [512, 1], strides = [1, 1]} : vector<512x2xf32> to vector<512x1xf32>
    %slice3A_588 = vector.extract_strided_slice %add3A_586 {offsets = [0, 1], sizes = [512, 1], strides = [1, 1]} : vector<512x2xf32> to vector<512x1xf32>
    %add3A_589 = arith.addf %slice3A_587, %slice3A_588 : vector<512x1xf32>
    %add3A_590 = arith.addf %add3A_580, %add3A_589 : vector<512x1xf32>
    %slice3A_591 = vector.extract_strided_slice %mul3A_561 {offsets = [0, 24], sizes = [512, 4], strides = [1, 1]} : vector<512x32xf32> to vector<512x4xf32>
    %slice3A_592 = vector.extract_strided_slice %mul3A_561 {offsets = [0, 28], sizes = [512, 4], strides = [1, 1]} : vector<512x32xf32> to vector<512x4xf32>
    %add3A_593 = arith.addf %slice3A_591, %slice3A_592 : vector<512x4xf32>
    %slice3A_594 = vector.extract_strided_slice %add3A_593 {offsets = [0, 0], sizes = [512, 2], strides = [1, 1]} : vector<512x4xf32> to vector<512x2xf32>
    %slice3A_595 = vector.extract_strided_slice %add3A_593 {offsets = [0, 2], sizes = [512, 2], strides = [1, 1]} : vector<512x4xf32> to vector<512x2xf32>
    %add3A_596 = arith.addf %slice3A_594, %slice3A_595 : vector<512x2xf32>
    %slice3A_597 = vector.extract_strided_slice %add3A_596 {offsets = [0, 0], sizes = [512, 1], strides = [1, 1]} : vector<512x2xf32> to vector<512x1xf32>
    %slice3A_598 = vector.extract_strided_slice %add3A_596 {offsets = [0, 1], sizes = [512, 1], strides = [1, 1]} : vector<512x2xf32> to vector<512x1xf32>
    %add3A_599 = arith.addf %slice3A_597, %slice3A_598 : vector<512x1xf32>
    %add3A_600 = arith.addf %add3A_590, %add3A_599 : vector<512x1xf32>
    %lt3A_601 = arith.cmpf olt, %add3A_600, %select_n3A_514 : vector<512x1xf32>
    %select_n3A_602 = arith.select %lt3A_601, %add3A_600, %select_n3A_514 : vector<512x1xi1>, vector<512x1xf32>
    %broadcast_in_dim3A_603 = vector.shape_cast %lt3A_601 : vector<512x1xi1> to vector<512x1xi1>
    %broadcast_in_dim3A_604 = vector.broadcast %broadcast_in_dim3A_603 : vector<512x1xi1> to vector<512x32xi1>
    %select_n3A_605 = arith.select %broadcast_in_dim3A_604, %add3A_559, %select_n3A_517 : vector<512x32xi1>, vector<512x32xf32>
    %get3A_606 = arith.constant 3584 : index
    %get3A_607 = arith.constant 0 : index
    %get3A_608 = vector.load %arg1[%get3A_606, %get3A_607] : memref<6144x128xf32, #tpu.memory_space<vmem>>, vector<512x128xf32>
    %slice3A_609 = vector.extract_strided_slice %get3A_4 {offsets = [0, 7], sizes = [512, 1], strides = [1, 1]} : vector<512x12xi32> to vector<512x1xi32>
    %and3A_610 = arith.constant 3 : i32
    %and3A_611 = vector.broadcast %and3A_610 : i32 to vector<512x1xi32>
    %and3A_612 = arith.andi %slice3A_609, %and3A_611 : vector<512x1xi32>
    %eq3A_613 = arith.constant 0 : i32
    %eq3A_614 = vector.broadcast %eq3A_613 : i32 to vector<512x1xi32>
    %eq3A_615 = arith.cmpi eq, %and3A_612, %eq3A_614 : vector<512x1xi32>
    %convert_element_type3A_616 = arith.extui %eq3A_615 : vector<512x1xi1> to vector<512x1xi32>
    %convert_element_type3A_617 = arith.sitofp %convert_element_type3A_616 : vector<512x1xi32> to vector<512x1xf32>
    %slice3A_618 = vector.extract_strided_slice %get3A_608 {offsets = [0, 0], sizes = [512, 32], strides = [1, 1]} : vector<512x128xf32> to vector<512x32xf32>
    %mul3A_619 = vector.broadcast %convert_element_type3A_617 : vector<512x1xf32> to vector<512x32xf32>
    %mul3A_620 = arith.mulf %mul3A_619, %slice3A_618 : vector<512x32xf32>
    %eq3A_621 = arith.constant 1 : i32
    %eq3A_622 = vector.broadcast %eq3A_621 : i32 to vector<512x1xi32>
    %eq3A_623 = arith.cmpi eq, %and3A_612, %eq3A_622 : vector<512x1xi32>
    %convert_element_type3A_624 = arith.extui %eq3A_623 : vector<512x1xi1> to vector<512x1xi32>
    %convert_element_type3A_625 = arith.sitofp %convert_element_type3A_624 : vector<512x1xi32> to vector<512x1xf32>
    %slice3A_626 = vector.extract_strided_slice %get3A_608 {offsets = [0, 32], sizes = [512, 32], strides = [1, 1]} : vector<512x128xf32> to vector<512x32xf32>
    %mul3A_627 = vector.broadcast %convert_element_type3A_625 : vector<512x1xf32> to vector<512x32xf32>
    %mul3A_628 = arith.mulf %mul3A_627, %slice3A_626 : vector<512x32xf32>
    %add3A_629 = arith.addf %mul3A_620, %mul3A_628 : vector<512x32xf32>
    %eq3A_630 = arith.constant 2 : i32
    %eq3A_631 = vector.broadcast %eq3A_630 : i32 to vector<512x1xi32>
    %eq3A_632 = arith.cmpi eq, %and3A_612, %eq3A_631 : vector<512x1xi32>
    %convert_element_type3A_633 = arith.extui %eq3A_632 : vector<512x1xi1> to vector<512x1xi32>
    %convert_element_type3A_634 = arith.sitofp %convert_element_type3A_633 : vector<512x1xi32> to vector<512x1xf32>
    %slice3A_635 = vector.extract_strided_slice %get3A_608 {offsets = [0, 64], sizes = [512, 32], strides = [1, 1]} : vector<512x128xf32> to vector<512x32xf32>
    %mul3A_636 = vector.broadcast %convert_element_type3A_634 : vector<512x1xf32> to vector<512x32xf32>
    %mul3A_637 = arith.mulf %mul3A_636, %slice3A_635 : vector<512x32xf32>
    %add3A_638 = arith.addf %add3A_629, %mul3A_637 : vector<512x32xf32>
    %eq3A_639 = arith.constant 3 : i32
    %eq3A_640 = vector.broadcast %eq3A_639 : i32 to vector<512x1xi32>
    %eq3A_641 = arith.cmpi eq, %and3A_612, %eq3A_640 : vector<512x1xi32>
    %convert_element_type3A_642 = arith.extui %eq3A_641 : vector<512x1xi1> to vector<512x1xi32>
    %convert_element_type3A_643 = arith.sitofp %convert_element_type3A_642 : vector<512x1xi32> to vector<512x1xf32>
    %slice3A_644 = vector.extract_strided_slice %get3A_608 {offsets = [0, 96], sizes = [512, 32], strides = [1, 1]} : vector<512x128xf32> to vector<512x32xf32>
    %mul3A_645 = vector.broadcast %convert_element_type3A_643 : vector<512x1xf32> to vector<512x32xf32>
    %mul3A_646 = arith.mulf %mul3A_645, %slice3A_644 : vector<512x32xf32>
    %add3A_647 = arith.addf %add3A_638, %mul3A_646 : vector<512x32xf32>
    %sub3A_648 = arith.subf %get3A_1, %add3A_647 : vector<512x32xf32>
    %mul3A_649 = arith.mulf %sub3A_648, %sub3A_648 : vector<512x32xf32>
    %slice3A_650 = vector.extract_strided_slice %mul3A_649 {offsets = [0, 0], sizes = [512, 4], strides = [1, 1]} : vector<512x32xf32> to vector<512x4xf32>
    %slice3A_651 = vector.extract_strided_slice %mul3A_649 {offsets = [0, 4], sizes = [512, 4], strides = [1, 1]} : vector<512x32xf32> to vector<512x4xf32>
    %add3A_652 = arith.addf %slice3A_650, %slice3A_651 : vector<512x4xf32>
    %slice3A_653 = vector.extract_strided_slice %add3A_652 {offsets = [0, 0], sizes = [512, 2], strides = [1, 1]} : vector<512x4xf32> to vector<512x2xf32>
    %slice3A_654 = vector.extract_strided_slice %add3A_652 {offsets = [0, 2], sizes = [512, 2], strides = [1, 1]} : vector<512x4xf32> to vector<512x2xf32>
    %add3A_655 = arith.addf %slice3A_653, %slice3A_654 : vector<512x2xf32>
    %slice3A_656 = vector.extract_strided_slice %add3A_655 {offsets = [0, 0], sizes = [512, 1], strides = [1, 1]} : vector<512x2xf32> to vector<512x1xf32>
    %slice3A_657 = vector.extract_strided_slice %add3A_655 {offsets = [0, 1], sizes = [512, 1], strides = [1, 1]} : vector<512x2xf32> to vector<512x1xf32>
    %add3A_658 = arith.addf %slice3A_656, %slice3A_657 : vector<512x1xf32>
    %slice3A_659 = vector.extract_strided_slice %mul3A_649 {offsets = [0, 8], sizes = [512, 4], strides = [1, 1]} : vector<512x32xf32> to vector<512x4xf32>
    %slice3A_660 = vector.extract_strided_slice %mul3A_649 {offsets = [0, 12], sizes = [512, 4], strides = [1, 1]} : vector<512x32xf32> to vector<512x4xf32>
    %add3A_661 = arith.addf %slice3A_659, %slice3A_660 : vector<512x4xf32>
    %slice3A_662 = vector.extract_strided_slice %add3A_661 {offsets = [0, 0], sizes = [512, 2], strides = [1, 1]} : vector<512x4xf32> to vector<512x2xf32>
    %slice3A_663 = vector.extract_strided_slice %add3A_661 {offsets = [0, 2], sizes = [512, 2], strides = [1, 1]} : vector<512x4xf32> to vector<512x2xf32>
    %add3A_664 = arith.addf %slice3A_662, %slice3A_663 : vector<512x2xf32>
    %slice3A_665 = vector.extract_strided_slice %add3A_664 {offsets = [0, 0], sizes = [512, 1], strides = [1, 1]} : vector<512x2xf32> to vector<512x1xf32>
    %slice3A_666 = vector.extract_strided_slice %add3A_664 {offsets = [0, 1], sizes = [512, 1], strides = [1, 1]} : vector<512x2xf32> to vector<512x1xf32>
    %add3A_667 = arith.addf %slice3A_665, %slice3A_666 : vector<512x1xf32>
    %add3A_668 = arith.addf %add3A_658, %add3A_667 : vector<512x1xf32>
    %slice3A_669 = vector.extract_strided_slice %mul3A_649 {offsets = [0, 16], sizes = [512, 4], strides = [1, 1]} : vector<512x32xf32> to vector<512x4xf32>
    %slice3A_670 = vector.extract_strided_slice %mul3A_649 {offsets = [0, 20], sizes = [512, 4], strides = [1, 1]} : vector<512x32xf32> to vector<512x4xf32>
    %add3A_671 = arith.addf %slice3A_669, %slice3A_670 : vector<512x4xf32>
    %slice3A_672 = vector.extract_strided_slice %add3A_671 {offsets = [0, 0], sizes = [512, 2], strides = [1, 1]} : vector<512x4xf32> to vector<512x2xf32>
    %slice3A_673 = vector.extract_strided_slice %add3A_671 {offsets = [0, 2], sizes = [512, 2], strides = [1, 1]} : vector<512x4xf32> to vector<512x2xf32>
    %add3A_674 = arith.addf %slice3A_672, %slice3A_673 : vector<512x2xf32>
    %slice3A_675 = vector.extract_strided_slice %add3A_674 {offsets = [0, 0], sizes = [512, 1], strides = [1, 1]} : vector<512x2xf32> to vector<512x1xf32>
    %slice3A_676 = vector.extract_strided_slice %add3A_674 {offsets = [0, 1], sizes = [512, 1], strides = [1, 1]} : vector<512x2xf32> to vector<512x1xf32>
    %add3A_677 = arith.addf %slice3A_675, %slice3A_676 : vector<512x1xf32>
    %add3A_678 = arith.addf %add3A_668, %add3A_677 : vector<512x1xf32>
    %slice3A_679 = vector.extract_strided_slice %mul3A_649 {offsets = [0, 24], sizes = [512, 4], strides = [1, 1]} : vector<512x32xf32> to vector<512x4xf32>
    %slice3A_680 = vector.extract_strided_slice %mul3A_649 {offsets = [0, 28], sizes = [512, 4], strides = [1, 1]} : vector<512x32xf32> to vector<512x4xf32>
    %add3A_681 = arith.addf %slice3A_679, %slice3A_680 : vector<512x4xf32>
    %slice3A_682 = vector.extract_strided_slice %add3A_681 {offsets = [0, 0], sizes = [512, 2], strides = [1, 1]} : vector<512x4xf32> to vector<512x2xf32>
    %slice3A_683 = vector.extract_strided_slice %add3A_681 {offsets = [0, 2], sizes = [512, 2], strides = [1, 1]} : vector<512x4xf32> to vector<512x2xf32>
    %add3A_684 = arith.addf %slice3A_682, %slice3A_683 : vector<512x2xf32>
    %slice3A_685 = vector.extract_strided_slice %add3A_684 {offsets = [0, 0], sizes = [512, 1], strides = [1, 1]} : vector<512x2xf32> to vector<512x1xf32>
    %slice3A_686 = vector.extract_strided_slice %add3A_684 {offsets = [0, 1], sizes = [512, 1], strides = [1, 1]} : vector<512x2xf32> to vector<512x1xf32>
    %add3A_687 = arith.addf %slice3A_685, %slice3A_686 : vector<512x1xf32>
    %add3A_688 = arith.addf %add3A_678, %add3A_687 : vector<512x1xf32>
    %lt3A_689 = arith.cmpf olt, %add3A_688, %select_n3A_602 : vector<512x1xf32>
    %select_n3A_690 = arith.select %lt3A_689, %add3A_688, %select_n3A_602 : vector<512x1xi1>, vector<512x1xf32>
    %broadcast_in_dim3A_691 = vector.shape_cast %lt3A_689 : vector<512x1xi1> to vector<512x1xi1>
    %broadcast_in_dim3A_692 = vector.broadcast %broadcast_in_dim3A_691 : vector<512x1xi1> to vector<512x32xi1>
    %select_n3A_693 = arith.select %broadcast_in_dim3A_692, %add3A_647, %select_n3A_605 : vector<512x32xi1>, vector<512x32xf32>
    %get3A_694 = arith.constant 4096 : index
    %get3A_695 = arith.constant 0 : index
    %get3A_696 = vector.load %arg1[%get3A_694, %get3A_695] : memref<6144x128xf32, #tpu.memory_space<vmem>>, vector<512x128xf32>
    %slice3A_697 = vector.extract_strided_slice %get3A_4 {offsets = [0, 8], sizes = [512, 1], strides = [1, 1]} : vector<512x12xi32> to vector<512x1xi32>
    %and3A_698 = arith.constant 3 : i32
    %and3A_699 = vector.broadcast %and3A_698 : i32 to vector<512x1xi32>
    %and3A_700 = arith.andi %slice3A_697, %and3A_699 : vector<512x1xi32>
    %eq3A_701 = arith.constant 0 : i32
    %eq3A_702 = vector.broadcast %eq3A_701 : i32 to vector<512x1xi32>
    %eq3A_703 = arith.cmpi eq, %and3A_700, %eq3A_702 : vector<512x1xi32>
    %convert_element_type3A_704 = arith.extui %eq3A_703 : vector<512x1xi1> to vector<512x1xi32>
    %convert_element_type3A_705 = arith.sitofp %convert_element_type3A_704 : vector<512x1xi32> to vector<512x1xf32>
    %slice3A_706 = vector.extract_strided_slice %get3A_696 {offsets = [0, 0], sizes = [512, 32], strides = [1, 1]} : vector<512x128xf32> to vector<512x32xf32>
    %mul3A_707 = vector.broadcast %convert_element_type3A_705 : vector<512x1xf32> to vector<512x32xf32>
    %mul3A_708 = arith.mulf %mul3A_707, %slice3A_706 : vector<512x32xf32>
    %eq3A_709 = arith.constant 1 : i32
    %eq3A_710 = vector.broadcast %eq3A_709 : i32 to vector<512x1xi32>
    %eq3A_711 = arith.cmpi eq, %and3A_700, %eq3A_710 : vector<512x1xi32>
    %convert_element_type3A_712 = arith.extui %eq3A_711 : vector<512x1xi1> to vector<512x1xi32>
    %convert_element_type3A_713 = arith.sitofp %convert_element_type3A_712 : vector<512x1xi32> to vector<512x1xf32>
    %slice3A_714 = vector.extract_strided_slice %get3A_696 {offsets = [0, 32], sizes = [512, 32], strides = [1, 1]} : vector<512x128xf32> to vector<512x32xf32>
    %mul3A_715 = vector.broadcast %convert_element_type3A_713 : vector<512x1xf32> to vector<512x32xf32>
    %mul3A_716 = arith.mulf %mul3A_715, %slice3A_714 : vector<512x32xf32>
    %add3A_717 = arith.addf %mul3A_708, %mul3A_716 : vector<512x32xf32>
    %eq3A_718 = arith.constant 2 : i32
    %eq3A_719 = vector.broadcast %eq3A_718 : i32 to vector<512x1xi32>
    %eq3A_720 = arith.cmpi eq, %and3A_700, %eq3A_719 : vector<512x1xi32>
    %convert_element_type3A_721 = arith.extui %eq3A_720 : vector<512x1xi1> to vector<512x1xi32>
    %convert_element_type3A_722 = arith.sitofp %convert_element_type3A_721 : vector<512x1xi32> to vector<512x1xf32>
    %slice3A_723 = vector.extract_strided_slice %get3A_696 {offsets = [0, 64], sizes = [512, 32], strides = [1, 1]} : vector<512x128xf32> to vector<512x32xf32>
    %mul3A_724 = vector.broadcast %convert_element_type3A_722 : vector<512x1xf32> to vector<512x32xf32>
    %mul3A_725 = arith.mulf %mul3A_724, %slice3A_723 : vector<512x32xf32>
    %add3A_726 = arith.addf %add3A_717, %mul3A_725 : vector<512x32xf32>
    %eq3A_727 = arith.constant 3 : i32
    %eq3A_728 = vector.broadcast %eq3A_727 : i32 to vector<512x1xi32>
    %eq3A_729 = arith.cmpi eq, %and3A_700, %eq3A_728 : vector<512x1xi32>
    %convert_element_type3A_730 = arith.extui %eq3A_729 : vector<512x1xi1> to vector<512x1xi32>
    %convert_element_type3A_731 = arith.sitofp %convert_element_type3A_730 : vector<512x1xi32> to vector<512x1xf32>
    %slice3A_732 = vector.extract_strided_slice %get3A_696 {offsets = [0, 96], sizes = [512, 32], strides = [1, 1]} : vector<512x128xf32> to vector<512x32xf32>
    %mul3A_733 = vector.broadcast %convert_element_type3A_731 : vector<512x1xf32> to vector<512x32xf32>
    %mul3A_734 = arith.mulf %mul3A_733, %slice3A_732 : vector<512x32xf32>
    %add3A_735 = arith.addf %add3A_726, %mul3A_734 : vector<512x32xf32>
    %sub3A_736 = arith.subf %get3A_1, %add3A_735 : vector<512x32xf32>
    %mul3A_737 = arith.mulf %sub3A_736, %sub3A_736 : vector<512x32xf32>
    %slice3A_738 = vector.extract_strided_slice %mul3A_737 {offsets = [0, 0], sizes = [512, 4], strides = [1, 1]} : vector<512x32xf32> to vector<512x4xf32>
    %slice3A_739 = vector.extract_strided_slice %mul3A_737 {offsets = [0, 4], sizes = [512, 4], strides = [1, 1]} : vector<512x32xf32> to vector<512x4xf32>
    %add3A_740 = arith.addf %slice3A_738, %slice3A_739 : vector<512x4xf32>
    %slice3A_741 = vector.extract_strided_slice %add3A_740 {offsets = [0, 0], sizes = [512, 2], strides = [1, 1]} : vector<512x4xf32> to vector<512x2xf32>
    %slice3A_742 = vector.extract_strided_slice %add3A_740 {offsets = [0, 2], sizes = [512, 2], strides = [1, 1]} : vector<512x4xf32> to vector<512x2xf32>
    %add3A_743 = arith.addf %slice3A_741, %slice3A_742 : vector<512x2xf32>
    %slice3A_744 = vector.extract_strided_slice %add3A_743 {offsets = [0, 0], sizes = [512, 1], strides = [1, 1]} : vector<512x2xf32> to vector<512x1xf32>
    %slice3A_745 = vector.extract_strided_slice %add3A_743 {offsets = [0, 1], sizes = [512, 1], strides = [1, 1]} : vector<512x2xf32> to vector<512x1xf32>
    %add3A_746 = arith.addf %slice3A_744, %slice3A_745 : vector<512x1xf32>
    %slice3A_747 = vector.extract_strided_slice %mul3A_737 {offsets = [0, 8], sizes = [512, 4], strides = [1, 1]} : vector<512x32xf32> to vector<512x4xf32>
    %slice3A_748 = vector.extract_strided_slice %mul3A_737 {offsets = [0, 12], sizes = [512, 4], strides = [1, 1]} : vector<512x32xf32> to vector<512x4xf32>
    %add3A_749 = arith.addf %slice3A_747, %slice3A_748 : vector<512x4xf32>
    %slice3A_750 = vector.extract_strided_slice %add3A_749 {offsets = [0, 0], sizes = [512, 2], strides = [1, 1]} : vector<512x4xf32> to vector<512x2xf32>
    %slice3A_751 = vector.extract_strided_slice %add3A_749 {offsets = [0, 2], sizes = [512, 2], strides = [1, 1]} : vector<512x4xf32> to vector<512x2xf32>
    %add3A_752 = arith.addf %slice3A_750, %slice3A_751 : vector<512x2xf32>
    %slice3A_753 = vector.extract_strided_slice %add3A_752 {offsets = [0, 0], sizes = [512, 1], strides = [1, 1]} : vector<512x2xf32> to vector<512x1xf32>
    %slice3A_754 = vector.extract_strided_slice %add3A_752 {offsets = [0, 1], sizes = [512, 1], strides = [1, 1]} : vector<512x2xf32> to vector<512x1xf32>
    %add3A_755 = arith.addf %slice3A_753, %slice3A_754 : vector<512x1xf32>
    %add3A_756 = arith.addf %add3A_746, %add3A_755 : vector<512x1xf32>
    %slice3A_757 = vector.extract_strided_slice %mul3A_737 {offsets = [0, 16], sizes = [512, 4], strides = [1, 1]} : vector<512x32xf32> to vector<512x4xf32>
    %slice3A_758 = vector.extract_strided_slice %mul3A_737 {offsets = [0, 20], sizes = [512, 4], strides = [1, 1]} : vector<512x32xf32> to vector<512x4xf32>
    %add3A_759 = arith.addf %slice3A_757, %slice3A_758 : vector<512x4xf32>
    %slice3A_760 = vector.extract_strided_slice %add3A_759 {offsets = [0, 0], sizes = [512, 2], strides = [1, 1]} : vector<512x4xf32> to vector<512x2xf32>
    %slice3A_761 = vector.extract_strided_slice %add3A_759 {offsets = [0, 2], sizes = [512, 2], strides = [1, 1]} : vector<512x4xf32> to vector<512x2xf32>
    %add3A_762 = arith.addf %slice3A_760, %slice3A_761 : vector<512x2xf32>
    %slice3A_763 = vector.extract_strided_slice %add3A_762 {offsets = [0, 0], sizes = [512, 1], strides = [1, 1]} : vector<512x2xf32> to vector<512x1xf32>
    %slice3A_764 = vector.extract_strided_slice %add3A_762 {offsets = [0, 1], sizes = [512, 1], strides = [1, 1]} : vector<512x2xf32> to vector<512x1xf32>
    %add3A_765 = arith.addf %slice3A_763, %slice3A_764 : vector<512x1xf32>
    %add3A_766 = arith.addf %add3A_756, %add3A_765 : vector<512x1xf32>
    %slice3A_767 = vector.extract_strided_slice %mul3A_737 {offsets = [0, 24], sizes = [512, 4], strides = [1, 1]} : vector<512x32xf32> to vector<512x4xf32>
    %slice3A_768 = vector.extract_strided_slice %mul3A_737 {offsets = [0, 28], sizes = [512, 4], strides = [1, 1]} : vector<512x32xf32> to vector<512x4xf32>
    %add3A_769 = arith.addf %slice3A_767, %slice3A_768 : vector<512x4xf32>
    %slice3A_770 = vector.extract_strided_slice %add3A_769 {offsets = [0, 0], sizes = [512, 2], strides = [1, 1]} : vector<512x4xf32> to vector<512x2xf32>
    %slice3A_771 = vector.extract_strided_slice %add3A_769 {offsets = [0, 2], sizes = [512, 2], strides = [1, 1]} : vector<512x4xf32> to vector<512x2xf32>
    %add3A_772 = arith.addf %slice3A_770, %slice3A_771 : vector<512x2xf32>
    %slice3A_773 = vector.extract_strided_slice %add3A_772 {offsets = [0, 0], sizes = [512, 1], strides = [1, 1]} : vector<512x2xf32> to vector<512x1xf32>
    %slice3A_774 = vector.extract_strided_slice %add3A_772 {offsets = [0, 1], sizes = [512, 1], strides = [1, 1]} : vector<512x2xf32> to vector<512x1xf32>
    %add3A_775 = arith.addf %slice3A_773, %slice3A_774 : vector<512x1xf32>
    %add3A_776 = arith.addf %add3A_766, %add3A_775 : vector<512x1xf32>
    %lt3A_777 = arith.cmpf olt, %add3A_776, %select_n3A_690 : vector<512x1xf32>
    %select_n3A_778 = arith.select %lt3A_777, %add3A_776, %select_n3A_690 : vector<512x1xi1>, vector<512x1xf32>
    %broadcast_in_dim3A_779 = vector.shape_cast %lt3A_777 : vector<512x1xi1> to vector<512x1xi1>
    %broadcast_in_dim3A_780 = vector.broadcast %broadcast_in_dim3A_779 : vector<512x1xi1> to vector<512x32xi1>
    %select_n3A_781 = arith.select %broadcast_in_dim3A_780, %add3A_735, %select_n3A_693 : vector<512x32xi1>, vector<512x32xf32>
    %get3A_782 = arith.constant 4608 : index
    %get3A_783 = arith.constant 0 : index
    %get3A_784 = vector.load %arg1[%get3A_782, %get3A_783] : memref<6144x128xf32, #tpu.memory_space<vmem>>, vector<512x128xf32>
    %slice3A_785 = vector.extract_strided_slice %get3A_4 {offsets = [0, 9], sizes = [512, 1], strides = [1, 1]} : vector<512x12xi32> to vector<512x1xi32>
    %and3A_786 = arith.constant 3 : i32
    %and3A_787 = vector.broadcast %and3A_786 : i32 to vector<512x1xi32>
    %and3A_788 = arith.andi %slice3A_785, %and3A_787 : vector<512x1xi32>
    %eq3A_789 = arith.constant 0 : i32
    %eq3A_790 = vector.broadcast %eq3A_789 : i32 to vector<512x1xi32>
    %eq3A_791 = arith.cmpi eq, %and3A_788, %eq3A_790 : vector<512x1xi32>
    %convert_element_type3A_792 = arith.extui %eq3A_791 : vector<512x1xi1> to vector<512x1xi32>
    %convert_element_type3A_793 = arith.sitofp %convert_element_type3A_792 : vector<512x1xi32> to vector<512x1xf32>
    %slice3A_794 = vector.extract_strided_slice %get3A_784 {offsets = [0, 0], sizes = [512, 32], strides = [1, 1]} : vector<512x128xf32> to vector<512x32xf32>
    %mul3A_795 = vector.broadcast %convert_element_type3A_793 : vector<512x1xf32> to vector<512x32xf32>
    %mul3A_796 = arith.mulf %mul3A_795, %slice3A_794 : vector<512x32xf32>
    %eq3A_797 = arith.constant 1 : i32
    %eq3A_798 = vector.broadcast %eq3A_797 : i32 to vector<512x1xi32>
    %eq3A_799 = arith.cmpi eq, %and3A_788, %eq3A_798 : vector<512x1xi32>
    %convert_element_type3A_800 = arith.extui %eq3A_799 : vector<512x1xi1> to vector<512x1xi32>
    %convert_element_type3A_801 = arith.sitofp %convert_element_type3A_800 : vector<512x1xi32> to vector<512x1xf32>
    %slice3A_802 = vector.extract_strided_slice %get3A_784 {offsets = [0, 32], sizes = [512, 32], strides = [1, 1]} : vector<512x128xf32> to vector<512x32xf32>
    %mul3A_803 = vector.broadcast %convert_element_type3A_801 : vector<512x1xf32> to vector<512x32xf32>
    %mul3A_804 = arith.mulf %mul3A_803, %slice3A_802 : vector<512x32xf32>
    %add3A_805 = arith.addf %mul3A_796, %mul3A_804 : vector<512x32xf32>
    %eq3A_806 = arith.constant 2 : i32
    %eq3A_807 = vector.broadcast %eq3A_806 : i32 to vector<512x1xi32>
    %eq3A_808 = arith.cmpi eq, %and3A_788, %eq3A_807 : vector<512x1xi32>
    %convert_element_type3A_809 = arith.extui %eq3A_808 : vector<512x1xi1> to vector<512x1xi32>
    %convert_element_type3A_810 = arith.sitofp %convert_element_type3A_809 : vector<512x1xi32> to vector<512x1xf32>
    %slice3A_811 = vector.extract_strided_slice %get3A_784 {offsets = [0, 64], sizes = [512, 32], strides = [1, 1]} : vector<512x128xf32> to vector<512x32xf32>
    %mul3A_812 = vector.broadcast %convert_element_type3A_810 : vector<512x1xf32> to vector<512x32xf32>
    %mul3A_813 = arith.mulf %mul3A_812, %slice3A_811 : vector<512x32xf32>
    %add3A_814 = arith.addf %add3A_805, %mul3A_813 : vector<512x32xf32>
    %eq3A_815 = arith.constant 3 : i32
    %eq3A_816 = vector.broadcast %eq3A_815 : i32 to vector<512x1xi32>
    %eq3A_817 = arith.cmpi eq, %and3A_788, %eq3A_816 : vector<512x1xi32>
    %convert_element_type3A_818 = arith.extui %eq3A_817 : vector<512x1xi1> to vector<512x1xi32>
    %convert_element_type3A_819 = arith.sitofp %convert_element_type3A_818 : vector<512x1xi32> to vector<512x1xf32>
    %slice3A_820 = vector.extract_strided_slice %get3A_784 {offsets = [0, 96], sizes = [512, 32], strides = [1, 1]} : vector<512x128xf32> to vector<512x32xf32>
    %mul3A_821 = vector.broadcast %convert_element_type3A_819 : vector<512x1xf32> to vector<512x32xf32>
    %mul3A_822 = arith.mulf %mul3A_821, %slice3A_820 : vector<512x32xf32>
    %add3A_823 = arith.addf %add3A_814, %mul3A_822 : vector<512x32xf32>
    %sub3A_824 = arith.subf %get3A_1, %add3A_823 : vector<512x32xf32>
    %mul3A_825 = arith.mulf %sub3A_824, %sub3A_824 : vector<512x32xf32>
    %slice3A_826 = vector.extract_strided_slice %mul3A_825 {offsets = [0, 0], sizes = [512, 4], strides = [1, 1]} : vector<512x32xf32> to vector<512x4xf32>
    %slice3A_827 = vector.extract_strided_slice %mul3A_825 {offsets = [0, 4], sizes = [512, 4], strides = [1, 1]} : vector<512x32xf32> to vector<512x4xf32>
    %add3A_828 = arith.addf %slice3A_826, %slice3A_827 : vector<512x4xf32>
    %slice3A_829 = vector.extract_strided_slice %add3A_828 {offsets = [0, 0], sizes = [512, 2], strides = [1, 1]} : vector<512x4xf32> to vector<512x2xf32>
    %slice3A_830 = vector.extract_strided_slice %add3A_828 {offsets = [0, 2], sizes = [512, 2], strides = [1, 1]} : vector<512x4xf32> to vector<512x2xf32>
    %add3A_831 = arith.addf %slice3A_829, %slice3A_830 : vector<512x2xf32>
    %slice3A_832 = vector.extract_strided_slice %add3A_831 {offsets = [0, 0], sizes = [512, 1], strides = [1, 1]} : vector<512x2xf32> to vector<512x1xf32>
    %slice3A_833 = vector.extract_strided_slice %add3A_831 {offsets = [0, 1], sizes = [512, 1], strides = [1, 1]} : vector<512x2xf32> to vector<512x1xf32>
    %add3A_834 = arith.addf %slice3A_832, %slice3A_833 : vector<512x1xf32>
    %slice3A_835 = vector.extract_strided_slice %mul3A_825 {offsets = [0, 8], sizes = [512, 4], strides = [1, 1]} : vector<512x32xf32> to vector<512x4xf32>
    %slice3A_836 = vector.extract_strided_slice %mul3A_825 {offsets = [0, 12], sizes = [512, 4], strides = [1, 1]} : vector<512x32xf32> to vector<512x4xf32>
    %add3A_837 = arith.addf %slice3A_835, %slice3A_836 : vector<512x4xf32>
    %slice3A_838 = vector.extract_strided_slice %add3A_837 {offsets = [0, 0], sizes = [512, 2], strides = [1, 1]} : vector<512x4xf32> to vector<512x2xf32>
    %slice3A_839 = vector.extract_strided_slice %add3A_837 {offsets = [0, 2], sizes = [512, 2], strides = [1, 1]} : vector<512x4xf32> to vector<512x2xf32>
    %add3A_840 = arith.addf %slice3A_838, %slice3A_839 : vector<512x2xf32>
    %slice3A_841 = vector.extract_strided_slice %add3A_840 {offsets = [0, 0], sizes = [512, 1], strides = [1, 1]} : vector<512x2xf32> to vector<512x1xf32>
    %slice3A_842 = vector.extract_strided_slice %add3A_840 {offsets = [0, 1], sizes = [512, 1], strides = [1, 1]} : vector<512x2xf32> to vector<512x1xf32>
    %add3A_843 = arith.addf %slice3A_841, %slice3A_842 : vector<512x1xf32>
    %add3A_844 = arith.addf %add3A_834, %add3A_843 : vector<512x1xf32>
    %slice3A_845 = vector.extract_strided_slice %mul3A_825 {offsets = [0, 16], sizes = [512, 4], strides = [1, 1]} : vector<512x32xf32> to vector<512x4xf32>
    %slice3A_846 = vector.extract_strided_slice %mul3A_825 {offsets = [0, 20], sizes = [512, 4], strides = [1, 1]} : vector<512x32xf32> to vector<512x4xf32>
    %add3A_847 = arith.addf %slice3A_845, %slice3A_846 : vector<512x4xf32>
    %slice3A_848 = vector.extract_strided_slice %add3A_847 {offsets = [0, 0], sizes = [512, 2], strides = [1, 1]} : vector<512x4xf32> to vector<512x2xf32>
    %slice3A_849 = vector.extract_strided_slice %add3A_847 {offsets = [0, 2], sizes = [512, 2], strides = [1, 1]} : vector<512x4xf32> to vector<512x2xf32>
    %add3A_850 = arith.addf %slice3A_848, %slice3A_849 : vector<512x2xf32>
    %slice3A_851 = vector.extract_strided_slice %add3A_850 {offsets = [0, 0], sizes = [512, 1], strides = [1, 1]} : vector<512x2xf32> to vector<512x1xf32>
    %slice3A_852 = vector.extract_strided_slice %add3A_850 {offsets = [0, 1], sizes = [512, 1], strides = [1, 1]} : vector<512x2xf32> to vector<512x1xf32>
    %add3A_853 = arith.addf %slice3A_851, %slice3A_852 : vector<512x1xf32>
    %add3A_854 = arith.addf %add3A_844, %add3A_853 : vector<512x1xf32>
    %slice3A_855 = vector.extract_strided_slice %mul3A_825 {offsets = [0, 24], sizes = [512, 4], strides = [1, 1]} : vector<512x32xf32> to vector<512x4xf32>
    %slice3A_856 = vector.extract_strided_slice %mul3A_825 {offsets = [0, 28], sizes = [512, 4], strides = [1, 1]} : vector<512x32xf32> to vector<512x4xf32>
    %add3A_857 = arith.addf %slice3A_855, %slice3A_856 : vector<512x4xf32>
    %slice3A_858 = vector.extract_strided_slice %add3A_857 {offsets = [0, 0], sizes = [512, 2], strides = [1, 1]} : vector<512x4xf32> to vector<512x2xf32>
    %slice3A_859 = vector.extract_strided_slice %add3A_857 {offsets = [0, 2], sizes = [512, 2], strides = [1, 1]} : vector<512x4xf32> to vector<512x2xf32>
    %add3A_860 = arith.addf %slice3A_858, %slice3A_859 : vector<512x2xf32>
    %slice3A_861 = vector.extract_strided_slice %add3A_860 {offsets = [0, 0], sizes = [512, 1], strides = [1, 1]} : vector<512x2xf32> to vector<512x1xf32>
    %slice3A_862 = vector.extract_strided_slice %add3A_860 {offsets = [0, 1], sizes = [512, 1], strides = [1, 1]} : vector<512x2xf32> to vector<512x1xf32>
    %add3A_863 = arith.addf %slice3A_861, %slice3A_862 : vector<512x1xf32>
    %add3A_864 = arith.addf %add3A_854, %add3A_863 : vector<512x1xf32>
    %lt3A_865 = arith.cmpf olt, %add3A_864, %select_n3A_778 : vector<512x1xf32>
    %select_n3A_866 = arith.select %lt3A_865, %add3A_864, %select_n3A_778 : vector<512x1xi1>, vector<512x1xf32>
    %broadcast_in_dim3A_867 = vector.shape_cast %lt3A_865 : vector<512x1xi1> to vector<512x1xi1>
    %broadcast_in_dim3A_868 = vector.broadcast %broadcast_in_dim3A_867 : vector<512x1xi1> to vector<512x32xi1>
    %select_n3A_869 = arith.select %broadcast_in_dim3A_868, %add3A_823, %select_n3A_781 : vector<512x32xi1>, vector<512x32xf32>
    %get3A_870 = arith.constant 5120 : index
    %get3A_871 = arith.constant 0 : index
    %get3A_872 = vector.load %arg1[%get3A_870, %get3A_871] : memref<6144x128xf32, #tpu.memory_space<vmem>>, vector<512x128xf32>
    %slice3A_873 = vector.extract_strided_slice %get3A_4 {offsets = [0, 10], sizes = [512, 1], strides = [1, 1]} : vector<512x12xi32> to vector<512x1xi32>
    %and3A_874 = arith.constant 3 : i32
    %and3A_875 = vector.broadcast %and3A_874 : i32 to vector<512x1xi32>
    %and3A_876 = arith.andi %slice3A_873, %and3A_875 : vector<512x1xi32>
    %eq3A_877 = arith.constant 0 : i32
    %eq3A_878 = vector.broadcast %eq3A_877 : i32 to vector<512x1xi32>
    %eq3A_879 = arith.cmpi eq, %and3A_876, %eq3A_878 : vector<512x1xi32>
    %convert_element_type3A_880 = arith.extui %eq3A_879 : vector<512x1xi1> to vector<512x1xi32>
    %convert_element_type3A_881 = arith.sitofp %convert_element_type3A_880 : vector<512x1xi32> to vector<512x1xf32>
    %slice3A_882 = vector.extract_strided_slice %get3A_872 {offsets = [0, 0], sizes = [512, 32], strides = [1, 1]} : vector<512x128xf32> to vector<512x32xf32>
    %mul3A_883 = vector.broadcast %convert_element_type3A_881 : vector<512x1xf32> to vector<512x32xf32>
    %mul3A_884 = arith.mulf %mul3A_883, %slice3A_882 : vector<512x32xf32>
    %eq3A_885 = arith.constant 1 : i32
    %eq3A_886 = vector.broadcast %eq3A_885 : i32 to vector<512x1xi32>
    %eq3A_887 = arith.cmpi eq, %and3A_876, %eq3A_886 : vector<512x1xi32>
    %convert_element_type3A_888 = arith.extui %eq3A_887 : vector<512x1xi1> to vector<512x1xi32>
    %convert_element_type3A_889 = arith.sitofp %convert_element_type3A_888 : vector<512x1xi32> to vector<512x1xf32>
    %slice3A_890 = vector.extract_strided_slice %get3A_872 {offsets = [0, 32], sizes = [512, 32], strides = [1, 1]} : vector<512x128xf32> to vector<512x32xf32>
    %mul3A_891 = vector.broadcast %convert_element_type3A_889 : vector<512x1xf32> to vector<512x32xf32>
    %mul3A_892 = arith.mulf %mul3A_891, %slice3A_890 : vector<512x32xf32>
    %add3A_893 = arith.addf %mul3A_884, %mul3A_892 : vector<512x32xf32>
    %eq3A_894 = arith.constant 2 : i32
    %eq3A_895 = vector.broadcast %eq3A_894 : i32 to vector<512x1xi32>
    %eq3A_896 = arith.cmpi eq, %and3A_876, %eq3A_895 : vector<512x1xi32>
    %convert_element_type3A_897 = arith.extui %eq3A_896 : vector<512x1xi1> to vector<512x1xi32>
    %convert_element_type3A_898 = arith.sitofp %convert_element_type3A_897 : vector<512x1xi32> to vector<512x1xf32>
    %slice3A_899 = vector.extract_strided_slice %get3A_872 {offsets = [0, 64], sizes = [512, 32], strides = [1, 1]} : vector<512x128xf32> to vector<512x32xf32>
    %mul3A_900 = vector.broadcast %convert_element_type3A_898 : vector<512x1xf32> to vector<512x32xf32>
    %mul3A_901 = arith.mulf %mul3A_900, %slice3A_899 : vector<512x32xf32>
    %add3A_902 = arith.addf %add3A_893, %mul3A_901 : vector<512x32xf32>
    %eq3A_903 = arith.constant 3 : i32
    %eq3A_904 = vector.broadcast %eq3A_903 : i32 to vector<512x1xi32>
    %eq3A_905 = arith.cmpi eq, %and3A_876, %eq3A_904 : vector<512x1xi32>
    %convert_element_type3A_906 = arith.extui %eq3A_905 : vector<512x1xi1> to vector<512x1xi32>
    %convert_element_type3A_907 = arith.sitofp %convert_element_type3A_906 : vector<512x1xi32> to vector<512x1xf32>
    %slice3A_908 = vector.extract_strided_slice %get3A_872 {offsets = [0, 96], sizes = [512, 32], strides = [1, 1]} : vector<512x128xf32> to vector<512x32xf32>
    %mul3A_909 = vector.broadcast %convert_element_type3A_907 : vector<512x1xf32> to vector<512x32xf32>
    %mul3A_910 = arith.mulf %mul3A_909, %slice3A_908 : vector<512x32xf32>
    %add3A_911 = arith.addf %add3A_902, %mul3A_910 : vector<512x32xf32>
    %sub3A_912 = arith.subf %get3A_1, %add3A_911 : vector<512x32xf32>
    %mul3A_913 = arith.mulf %sub3A_912, %sub3A_912 : vector<512x32xf32>
    %slice3A_914 = vector.extract_strided_slice %mul3A_913 {offsets = [0, 0], sizes = [512, 4], strides = [1, 1]} : vector<512x32xf32> to vector<512x4xf32>
    %slice3A_915 = vector.extract_strided_slice %mul3A_913 {offsets = [0, 4], sizes = [512, 4], strides = [1, 1]} : vector<512x32xf32> to vector<512x4xf32>
    %add3A_916 = arith.addf %slice3A_914, %slice3A_915 : vector<512x4xf32>
    %slice3A_917 = vector.extract_strided_slice %add3A_916 {offsets = [0, 0], sizes = [512, 2], strides = [1, 1]} : vector<512x4xf32> to vector<512x2xf32>
    %slice3A_918 = vector.extract_strided_slice %add3A_916 {offsets = [0, 2], sizes = [512, 2], strides = [1, 1]} : vector<512x4xf32> to vector<512x2xf32>
    %add3A_919 = arith.addf %slice3A_917, %slice3A_918 : vector<512x2xf32>
    %slice3A_920 = vector.extract_strided_slice %add3A_919 {offsets = [0, 0], sizes = [512, 1], strides = [1, 1]} : vector<512x2xf32> to vector<512x1xf32>
    %slice3A_921 = vector.extract_strided_slice %add3A_919 {offsets = [0, 1], sizes = [512, 1], strides = [1, 1]} : vector<512x2xf32> to vector<512x1xf32>
    %add3A_922 = arith.addf %slice3A_920, %slice3A_921 : vector<512x1xf32>
    %slice3A_923 = vector.extract_strided_slice %mul3A_913 {offsets = [0, 8], sizes = [512, 4], strides = [1, 1]} : vector<512x32xf32> to vector<512x4xf32>
    %slice3A_924 = vector.extract_strided_slice %mul3A_913 {offsets = [0, 12], sizes = [512, 4], strides = [1, 1]} : vector<512x32xf32> to vector<512x4xf32>
    %add3A_925 = arith.addf %slice3A_923, %slice3A_924 : vector<512x4xf32>
    %slice3A_926 = vector.extract_strided_slice %add3A_925 {offsets = [0, 0], sizes = [512, 2], strides = [1, 1]} : vector<512x4xf32> to vector<512x2xf32>
    %slice3A_927 = vector.extract_strided_slice %add3A_925 {offsets = [0, 2], sizes = [512, 2], strides = [1, 1]} : vector<512x4xf32> to vector<512x2xf32>
    %add3A_928 = arith.addf %slice3A_926, %slice3A_927 : vector<512x2xf32>
    %slice3A_929 = vector.extract_strided_slice %add3A_928 {offsets = [0, 0], sizes = [512, 1], strides = [1, 1]} : vector<512x2xf32> to vector<512x1xf32>
    %slice3A_930 = vector.extract_strided_slice %add3A_928 {offsets = [0, 1], sizes = [512, 1], strides = [1, 1]} : vector<512x2xf32> to vector<512x1xf32>
    %add3A_931 = arith.addf %slice3A_929, %slice3A_930 : vector<512x1xf32>
    %add3A_932 = arith.addf %add3A_922, %add3A_931 : vector<512x1xf32>
    %slice3A_933 = vector.extract_strided_slice %mul3A_913 {offsets = [0, 16], sizes = [512, 4], strides = [1, 1]} : vector<512x32xf32> to vector<512x4xf32>
    %slice3A_934 = vector.extract_strided_slice %mul3A_913 {offsets = [0, 20], sizes = [512, 4], strides = [1, 1]} : vector<512x32xf32> to vector<512x4xf32>
    %add3A_935 = arith.addf %slice3A_933, %slice3A_934 : vector<512x4xf32>
    %slice3A_936 = vector.extract_strided_slice %add3A_935 {offsets = [0, 0], sizes = [512, 2], strides = [1, 1]} : vector<512x4xf32> to vector<512x2xf32>
    %slice3A_937 = vector.extract_strided_slice %add3A_935 {offsets = [0, 2], sizes = [512, 2], strides = [1, 1]} : vector<512x4xf32> to vector<512x2xf32>
    %add3A_938 = arith.addf %slice3A_936, %slice3A_937 : vector<512x2xf32>
    %slice3A_939 = vector.extract_strided_slice %add3A_938 {offsets = [0, 0], sizes = [512, 1], strides = [1, 1]} : vector<512x2xf32> to vector<512x1xf32>
    %slice3A_940 = vector.extract_strided_slice %add3A_938 {offsets = [0, 1], sizes = [512, 1], strides = [1, 1]} : vector<512x2xf32> to vector<512x1xf32>
    %add3A_941 = arith.addf %slice3A_939, %slice3A_940 : vector<512x1xf32>
    %add3A_942 = arith.addf %add3A_932, %add3A_941 : vector<512x1xf32>
    %slice3A_943 = vector.extract_strided_slice %mul3A_913 {offsets = [0, 24], sizes = [512, 4], strides = [1, 1]} : vector<512x32xf32> to vector<512x4xf32>
    %slice3A_944 = vector.extract_strided_slice %mul3A_913 {offsets = [0, 28], sizes = [512, 4], strides = [1, 1]} : vector<512x32xf32> to vector<512x4xf32>
    %add3A_945 = arith.addf %slice3A_943, %slice3A_944 : vector<512x4xf32>
    %slice3A_946 = vector.extract_strided_slice %add3A_945 {offsets = [0, 0], sizes = [512, 2], strides = [1, 1]} : vector<512x4xf32> to vector<512x2xf32>
    %slice3A_947 = vector.extract_strided_slice %add3A_945 {offsets = [0, 2], sizes = [512, 2], strides = [1, 1]} : vector<512x4xf32> to vector<512x2xf32>
    %add3A_948 = arith.addf %slice3A_946, %slice3A_947 : vector<512x2xf32>
    %slice3A_949 = vector.extract_strided_slice %add3A_948 {offsets = [0, 0], sizes = [512, 1], strides = [1, 1]} : vector<512x2xf32> to vector<512x1xf32>
    %slice3A_950 = vector.extract_strided_slice %add3A_948 {offsets = [0, 1], sizes = [512, 1], strides = [1, 1]} : vector<512x2xf32> to vector<512x1xf32>
    %add3A_951 = arith.addf %slice3A_949, %slice3A_950 : vector<512x1xf32>
    %add3A_952 = arith.addf %add3A_942, %add3A_951 : vector<512x1xf32>
    %lt3A_953 = arith.cmpf olt, %add3A_952, %select_n3A_866 : vector<512x1xf32>
    %select_n3A_954 = arith.select %lt3A_953, %add3A_952, %select_n3A_866 : vector<512x1xi1>, vector<512x1xf32>
    %broadcast_in_dim3A_955 = vector.shape_cast %lt3A_953 : vector<512x1xi1> to vector<512x1xi1>
    %broadcast_in_dim3A_956 = vector.broadcast %broadcast_in_dim3A_955 : vector<512x1xi1> to vector<512x32xi1>
    %select_n3A_957 = arith.select %broadcast_in_dim3A_956, %add3A_911, %select_n3A_869 : vector<512x32xi1>, vector<512x32xf32>
    %get3A_958 = arith.constant 5632 : index
    %get3A_959 = arith.constant 0 : index
    %get3A_960 = vector.load %arg1[%get3A_958, %get3A_959] : memref<6144x128xf32, #tpu.memory_space<vmem>>, vector<512x128xf32>
    %slice3A_961 = vector.extract_strided_slice %get3A_4 {offsets = [0, 11], sizes = [512, 1], strides = [1, 1]} : vector<512x12xi32> to vector<512x1xi32>
    %and3A_962 = arith.constant 3 : i32
    %and3A_963 = vector.broadcast %and3A_962 : i32 to vector<512x1xi32>
    %and3A_964 = arith.andi %slice3A_961, %and3A_963 : vector<512x1xi32>
    %eq3A_965 = arith.constant 0 : i32
    %eq3A_966 = vector.broadcast %eq3A_965 : i32 to vector<512x1xi32>
    %eq3A_967 = arith.cmpi eq, %and3A_964, %eq3A_966 : vector<512x1xi32>
    %convert_element_type3A_968 = arith.extui %eq3A_967 : vector<512x1xi1> to vector<512x1xi32>
    %convert_element_type3A_969 = arith.sitofp %convert_element_type3A_968 : vector<512x1xi32> to vector<512x1xf32>
    %slice3A_970 = vector.extract_strided_slice %get3A_960 {offsets = [0, 0], sizes = [512, 32], strides = [1, 1]} : vector<512x128xf32> to vector<512x32xf32>
    %mul3A_971 = vector.broadcast %convert_element_type3A_969 : vector<512x1xf32> to vector<512x32xf32>
    %mul3A_972 = arith.mulf %mul3A_971, %slice3A_970 : vector<512x32xf32>
    %eq3A_973 = arith.constant 1 : i32
    %eq3A_974 = vector.broadcast %eq3A_973 : i32 to vector<512x1xi32>
    %eq3A_975 = arith.cmpi eq, %and3A_964, %eq3A_974 : vector<512x1xi32>
    %convert_element_type3A_976 = arith.extui %eq3A_975 : vector<512x1xi1> to vector<512x1xi32>
    %convert_element_type3A_977 = arith.sitofp %convert_element_type3A_976 : vector<512x1xi32> to vector<512x1xf32>
    %slice3A_978 = vector.extract_strided_slice %get3A_960 {offsets = [0, 32], sizes = [512, 32], strides = [1, 1]} : vector<512x128xf32> to vector<512x32xf32>
    %mul3A_979 = vector.broadcast %convert_element_type3A_977 : vector<512x1xf32> to vector<512x32xf32>
    %mul3A_980 = arith.mulf %mul3A_979, %slice3A_978 : vector<512x32xf32>
    %add3A_981 = arith.addf %mul3A_972, %mul3A_980 : vector<512x32xf32>
    %eq3A_982 = arith.constant 2 : i32
    %eq3A_983 = vector.broadcast %eq3A_982 : i32 to vector<512x1xi32>
    %eq3A_984 = arith.cmpi eq, %and3A_964, %eq3A_983 : vector<512x1xi32>
    %convert_element_type3A_985 = arith.extui %eq3A_984 : vector<512x1xi1> to vector<512x1xi32>
    %convert_element_type3A_986 = arith.sitofp %convert_element_type3A_985 : vector<512x1xi32> to vector<512x1xf32>
    %slice3A_987 = vector.extract_strided_slice %get3A_960 {offsets = [0, 64], sizes = [512, 32], strides = [1, 1]} : vector<512x128xf32> to vector<512x32xf32>
    %mul3A_988 = vector.broadcast %convert_element_type3A_986 : vector<512x1xf32> to vector<512x32xf32>
    %mul3A_989 = arith.mulf %mul3A_988, %slice3A_987 : vector<512x32xf32>
    %add3A_990 = arith.addf %add3A_981, %mul3A_989 : vector<512x32xf32>
    %eq3A_991 = arith.constant 3 : i32
    %eq3A_992 = vector.broadcast %eq3A_991 : i32 to vector<512x1xi32>
    %eq3A_993 = arith.cmpi eq, %and3A_964, %eq3A_992 : vector<512x1xi32>
    %convert_element_type3A_994 = arith.extui %eq3A_993 : vector<512x1xi1> to vector<512x1xi32>
    %convert_element_type3A_995 = arith.sitofp %convert_element_type3A_994 : vector<512x1xi32> to vector<512x1xf32>
    %slice3A_996 = vector.extract_strided_slice %get3A_960 {offsets = [0, 96], sizes = [512, 32], strides = [1, 1]} : vector<512x128xf32> to vector<512x32xf32>
    %mul3A_997 = vector.broadcast %convert_element_type3A_995 : vector<512x1xf32> to vector<512x32xf32>
    %mul3A_998 = arith.mulf %mul3A_997, %slice3A_996 : vector<512x32xf32>
    %add3A_999 = arith.addf %add3A_990, %mul3A_998 : vector<512x32xf32>
    %sub3A_1000 = arith.subf %get3A_1, %add3A_999 : vector<512x32xf32>
    %mul3A_1001 = arith.mulf %sub3A_1000, %sub3A_1000 : vector<512x32xf32>
    %slice3A_1002 = vector.extract_strided_slice %mul3A_1001 {offsets = [0, 0], sizes = [512, 4], strides = [1, 1]} : vector<512x32xf32> to vector<512x4xf32>
    %slice3A_1003 = vector.extract_strided_slice %mul3A_1001 {offsets = [0, 4], sizes = [512, 4], strides = [1, 1]} : vector<512x32xf32> to vector<512x4xf32>
    %add3A_1004 = arith.addf %slice3A_1002, %slice3A_1003 : vector<512x4xf32>
    %slice3A_1005 = vector.extract_strided_slice %add3A_1004 {offsets = [0, 0], sizes = [512, 2], strides = [1, 1]} : vector<512x4xf32> to vector<512x2xf32>
    %slice3A_1006 = vector.extract_strided_slice %add3A_1004 {offsets = [0, 2], sizes = [512, 2], strides = [1, 1]} : vector<512x4xf32> to vector<512x2xf32>
    %add3A_1007 = arith.addf %slice3A_1005, %slice3A_1006 : vector<512x2xf32>
    %slice3A_1008 = vector.extract_strided_slice %add3A_1007 {offsets = [0, 0], sizes = [512, 1], strides = [1, 1]} : vector<512x2xf32> to vector<512x1xf32>
    %slice3A_1009 = vector.extract_strided_slice %add3A_1007 {offsets = [0, 1], sizes = [512, 1], strides = [1, 1]} : vector<512x2xf32> to vector<512x1xf32>
    %add3A_1010 = arith.addf %slice3A_1008, %slice3A_1009 : vector<512x1xf32>
    %slice3A_1011 = vector.extract_strided_slice %mul3A_1001 {offsets = [0, 8], sizes = [512, 4], strides = [1, 1]} : vector<512x32xf32> to vector<512x4xf32>
    %slice3A_1012 = vector.extract_strided_slice %mul3A_1001 {offsets = [0, 12], sizes = [512, 4], strides = [1, 1]} : vector<512x32xf32> to vector<512x4xf32>
    %add3A_1013 = arith.addf %slice3A_1011, %slice3A_1012 : vector<512x4xf32>
    %slice3A_1014 = vector.extract_strided_slice %add3A_1013 {offsets = [0, 0], sizes = [512, 2], strides = [1, 1]} : vector<512x4xf32> to vector<512x2xf32>
    %slice3A_1015 = vector.extract_strided_slice %add3A_1013 {offsets = [0, 2], sizes = [512, 2], strides = [1, 1]} : vector<512x4xf32> to vector<512x2xf32>
    %add3A_1016 = arith.addf %slice3A_1014, %slice3A_1015 : vector<512x2xf32>
    %slice3A_1017 = vector.extract_strided_slice %add3A_1016 {offsets = [0, 0], sizes = [512, 1], strides = [1, 1]} : vector<512x2xf32> to vector<512x1xf32>
    %slice3A_1018 = vector.extract_strided_slice %add3A_1016 {offsets = [0, 1], sizes = [512, 1], strides = [1, 1]} : vector<512x2xf32> to vector<512x1xf32>
    %add3A_1019 = arith.addf %slice3A_1017, %slice3A_1018 : vector<512x1xf32>
    %add3A_1020 = arith.addf %add3A_1010, %add3A_1019 : vector<512x1xf32>
    %slice3A_1021 = vector.extract_strided_slice %mul3A_1001 {offsets = [0, 16], sizes = [512, 4], strides = [1, 1]} : vector<512x32xf32> to vector<512x4xf32>
    %slice3A_1022 = vector.extract_strided_slice %mul3A_1001 {offsets = [0, 20], sizes = [512, 4], strides = [1, 1]} : vector<512x32xf32> to vector<512x4xf32>
    %add3A_1023 = arith.addf %slice3A_1021, %slice3A_1022 : vector<512x4xf32>
    %slice3A_1024 = vector.extract_strided_slice %add3A_1023 {offsets = [0, 0], sizes = [512, 2], strides = [1, 1]} : vector<512x4xf32> to vector<512x2xf32>
    %slice3A_1025 = vector.extract_strided_slice %add3A_1023 {offsets = [0, 2], sizes = [512, 2], strides = [1, 1]} : vector<512x4xf32> to vector<512x2xf32>
    %add3A_1026 = arith.addf %slice3A_1024, %slice3A_1025 : vector<512x2xf32>
    %slice3A_1027 = vector.extract_strided_slice %add3A_1026 {offsets = [0, 0], sizes = [512, 1], strides = [1, 1]} : vector<512x2xf32> to vector<512x1xf32>
    %slice3A_1028 = vector.extract_strided_slice %add3A_1026 {offsets = [0, 1], sizes = [512, 1], strides = [1, 1]} : vector<512x2xf32> to vector<512x1xf32>
    %add3A_1029 = arith.addf %slice3A_1027, %slice3A_1028 : vector<512x1xf32>
    %add3A_1030 = arith.addf %add3A_1020, %add3A_1029 : vector<512x1xf32>
    %slice3A_1031 = vector.extract_strided_slice %mul3A_1001 {offsets = [0, 24], sizes = [512, 4], strides = [1, 1]} : vector<512x32xf32> to vector<512x4xf32>
    %slice3A_1032 = vector.extract_strided_slice %mul3A_1001 {offsets = [0, 28], sizes = [512, 4], strides = [1, 1]} : vector<512x32xf32> to vector<512x4xf32>
    %add3A_1033 = arith.addf %slice3A_1031, %slice3A_1032 : vector<512x4xf32>
    %slice3A_1034 = vector.extract_strided_slice %add3A_1033 {offsets = [0, 0], sizes = [512, 2], strides = [1, 1]} : vector<512x4xf32> to vector<512x2xf32>
    %slice3A_1035 = vector.extract_strided_slice %add3A_1033 {offsets = [0, 2], sizes = [512, 2], strides = [1, 1]} : vector<512x4xf32> to vector<512x2xf32>
    %add3A_1036 = arith.addf %slice3A_1034, %slice3A_1035 : vector<512x2xf32>
    %slice3A_1037 = vector.extract_strided_slice %add3A_1036 {offsets = [0, 0], sizes = [512, 1], strides = [1, 1]} : vector<512x2xf32> to vector<512x1xf32>
    %slice3A_1038 = vector.extract_strided_slice %add3A_1036 {offsets = [0, 1], sizes = [512, 1], strides = [1, 1]} : vector<512x2xf32> to vector<512x1xf32>
    %add3A_1039 = arith.addf %slice3A_1037, %slice3A_1038 : vector<512x1xf32>
    %add3A_1040 = arith.addf %add3A_1030, %add3A_1039 : vector<512x1xf32>
    %lt3A_1041 = arith.cmpf olt, %add3A_1040, %select_n3A_954 : vector<512x1xf32>
    %broadcast_in_dim3A_1042 = vector.shape_cast %lt3A_1041 : vector<512x1xi1> to vector<512x1xi1>
    %broadcast_in_dim3A_1043 = vector.broadcast %broadcast_in_dim3A_1042 : vector<512x1xi1> to vector<512x32xi1>
    %select_n3A_1044 = arith.select %broadcast_in_dim3A_1043, %add3A_999, %select_n3A_957 : vector<512x32xi1>, vector<512x32xf32>
    %swap3A = arith.constant 0 : index
    %swap3A_1045 = arith.constant 0 : index
    %swap3A_1046 = vector.load %arg3[%swap3A, %swap3A_1045] : memref<512x32xf32, #tpu.memory_space<vmem>>, vector<512x32xf32>
    tpu.vector_store %arg3[%swap3A, %swap3A_1045], %select_n3A_1044 {strides = array<i32>} : memref<512x32xf32, #tpu.memory_space<vmem>>, vector<512x32xf32>,
    return
  }
}

</mosaic_0001>

<sc_bundles>
// kernel: kernel.5.cloned.1.call-start
scs
__scs_entry_jumppad:
0x0: {  	(pc) =	sbr.rel $0x88, $3  }
0x1: {  	(tag) =	ssettag $0x0;
	lr =	simm.s32 $0x1  }
0x2: {  	[smem:$0x3F9F] =	sst lr;
	_ =	strace $0xD0000000  }
0x3: {  	_ = 	snop  }
0x4: {  	_ = 	snop  }
0x5: {  	_ = 	snop  }
0x6: {  	_ = 	snop  }
0x7: {  	_ = 	snop  }
__scs_overlays_trampoline_lowered:
0x8: {  	[smem:$0x3FAE] =	sst s0  }
0x9: {  	[smem:$0x3FAF] =	sst s1  }
0xa: {  	[smem:$0x3FB0] =	sst s2  }
0xb: {  	[smem:$0x3FB1] =	sst s3  }
0xc: {  	[smem:$0x3FB2] =	sst s4  }
0xd: {  	[smem:$0x3FB3] =	sst s5  }
0xe: {  	[smem:$0x3FB4] =	sst s6  }
0xf: {  	[smem:$0x3FB5] =	sst s7  }
0x10: {  	[smem:$0x3FB6] =	sst s8  }
0x11: {  	[smem:$0x3FB7] =	sst s9;
	s0 =	simm.s32 @!p0 $0x0  }
0x12: {  	s1 =	sld [smem:$0x3F9D];
	s0 =	simm.s32 @p0 $0x1  }
0x13: {  	[smem:$0x3FB8] =	sst s0;
	s0 =	simm.s32 @!p1 $0x0  }
0x14: {  	s2 =	sld [smem:$0x3F9C];
	s0 =	simm.s32 @p1 $0x1  }
0x15: {  	[smem:$0x3FB9] =	sst s0;
	s0 =	simm.s32 @!p2 $0x0  }
0x16: {  	s3 =	sld [smem:$0x3FDB];
	s0 =	simm.s32 @p2 $0x1  }
0x17: {  	s4 =	simm.s32 $0x1BF5;
	[smem:$0x3FBB] =	sst s0  }
0x18: {  	s0 =	sld [smem:$0x3F9E];
	_ =	swait.ge [sflag:s4], $0x0  }
0x19: {  	s7 =	sld [smem:$0x3F9F]  }
0x1a: {  	s8 =	sadd.s32 $0xFFFFE003, lr  }
0x1b: {  	s9 =	sadd.s32 $0xFFFFFEF7, lr;
	s5 =	simm.s32 $0xFFFFFFFF;
	p2 =	slt.u32 s8, $0xFFFFF086  }
0x1c: {  	p1 =	slt.u32 s9, $0xF7A;
	s5 =	simm.s32 @!p2 $0x0  }
0x1d: {  	s5 =	simm.s32 @p1 $0x1;
	p0 =	seq.s32 s7, s2  }
0x1e: {  	s7 =	smul.u32 @!p0 $0xF7A, s2;
	p2 =	seq.s32 @!p0 s5, $0x0  }
0x1f: {  	s9 =	smul.u32 $0xF7A, s1;
	s8 =	simm.s32 @!p0 $0x1BF5;
	p2 =	por !p2, p0  }
0x20: {  	[sflag:s8] =	ssyncset.s32 @!p0 $0xFFFFF086;
	s6 =	sadd.s32 @!p0 s3, s7;
	s7 =	simm.s32 @!p0 $0x108  }
0x21: {  	s3 =	sadd.s32 s3, s9;
	s6 =	sadd.s32 @!p0 $0x88, s6;
	s7 =	simm.s32 @p2 $0x1082  }
0x22: {  	[simem:s7], [sflag:s8] =	dma.local @!p0 [hbm:s6], $0xF7A  }
0x23: {  	s9 =	sor.u32 $0xD0000000, s2;
	s6 =	simm.s32 $0x108;
	_ =	swait.ge @!p0 [sflag:s8], $0x0  }
0x24: {  	s3 =	sadd.s32 $0x88, s3;
	s6 =	simm.s32 @!p1 $0x1082;
	[sflag:s4] =	ssyncset.s32 $0xFFFFF086  }
0x25: {  	[simem:s6], [sflag:s4] =	dma.local [hbm:s3], $0xF7A  }
0x26: {  	[smem:$0x3F9F] =	sst s1;
	(tag) =	ssettag s2;
	_ =	strace s9  }
0x27: {  	s1 =	sld [smem:$0x3FAF]  }
0x28: {  	s2 =	sld [smem:$0x3FB0]  }
0x29: {  	s4 =	sld [smem:$0x3FB2]  }
0x2a: {  	p0 =	seq.s32 s5, $0x0;
	s5 =	sld [smem:$0x3FB3]  }
0x2b: {  	s6 =	sld [smem:$0x3FB4]  }
0x2c: {  	s7 =	sld [smem:$0x3FB5]  }
0x2d: {  	s3 =	simm.s32 $0x108;
	s8 =	sld [smem:$0x3FB6]  }
0x2e: {  	s3 =	simm.s32 @!p0 $0x1082;
	s9 =	sld [smem:$0x3FB7]  }
0x2f: {  	lr =	sadd.s32 s0, s3;
	s0 =	sld [smem:$0x3FAE]  }
0x30: {  	s3 =	sld [smem:$0x3FB1]  }
0x31: {  	[smem:$0x3FBA] =	sst s10  }
0x32: {  	s10 =	sld [smem:$0x3FB8];
	_ =	sdelay $0x3  }
0x33: {  	p0 =	seq.s32 s10, $0x1;
	s10 =	sld [smem:$0x3FBA];
	_ =	sdelay $0x3  }
0x34: {  	[smem:$0x3FBA] =	sst s10  }
0x35: {  	s10 =	sld [smem:$0x3FB9];
	_ =	sdelay $0x3  }
0x36: {  	p1 =	seq.s32 s10, $0x1;
	s10 =	sld [smem:$0x3FBA];
	_ =	sdelay $0x3  }
0x37: {  	[smem:$0x3FBA] =	sst s10  }
0x38: {  	s10 =	sld [smem:$0x3FBB]  }
0x39: {  	_ = 	snop;
	(pc) =	sbr.ind lr, $3  }
0x3a: {  	_ = 	snop  }
0x3b: {  	_ = 	snop  }
0x3c: {  	p2 =	seq.s32 s10, $0x1;
	s10 =	sld [smem:$0x3FBA]  }
0x3d: {  	_ =	shalt  }
0x3e: {  	_ =	shalt  }
0x3f: {  	_ =	shalt  }
0x40: {  	_ =	shalt  }
0x41: {  	_ =	shalt  }
0x42: {  	_ =	shalt  }
0x43: {  	_ =	shalt  }
0x44: {  	_ =	shalt  }
0x45: {  	_ =	shalt  }
0x46: {  	_ =	shalt  }
0x47: {  	_ =	shalt  }
0x48: {  	_ =	shalt  }
0x49: {  	_ =	shalt  }
0x4a: {  	_ =	shalt  }
0x4b: {  	_ =	shalt  }
0x4c: {  	_ =	shalt  }
0x4d: {  	_ =	shalt  }
0x4e: {  	_ =	shalt  }
0x4f: {  	_ =	shalt  }
0x50: {  	_ =	shalt  }
0x51: {  	_ =	shalt  }
0x52: {  	_ =	shalt  }
0x53: {  	_ =	shalt  }
0x54: {  	_ =	shalt  }
0x55: {  	_ =	shalt  }
0x56: {  	_ =	shalt  }
0x57: {  	_ =	shalt  }
0x58: {  	_ =	shalt  }
0x59: {  	_ =	shalt  }
0x5a: {  	_ =	shalt  }
0x5b: {  	_ =	shalt  }
0x5c: {  	_ =	shalt  }
0x5d: {  	_ =	shalt  }
0x5e: {  	_ =	shalt  }
0x5f: {  	_ =	shalt  }
0x60: {  	_ =	shalt  }
0x61: {  	_ =	shalt  }
0x62: {  	_ =	shalt  }
0x63: {  	_ =	shalt  }
0x64: {  	_ =	shalt  }
0x65: {  	_ =	shalt  }
0x66: {  	_ =	shalt  }
0x67: {  	_ =	shalt  }
0x68: {  	_ =	shalt  }
0x69: {  	_ =	shalt  }
0x6a: {  	_ =	shalt  }
0x6b: {  	_ =	shalt  }
0x6c: {  	_ =	shalt  }
0x6d: {  	_ =	shalt  }
0x6e: {  	_ =	shalt  }
0x6f: {  	_ =	shalt  }
0x70: {  	_ =	shalt  }
0x71: {  	_ =	shalt  }
0x72: {  	_ =	shalt  }
0x73: {  	_ =	shalt  }
0x74: {  	_ =	shalt  }
0x75: {  	_ =	shalt  }
0x76: {  	_ =	shalt  }
0x77: {  	_ =	shalt  }
0x78: {  	_ =	shalt  }
0x79: {  	_ =	shalt  }
0x7a: {  	_ =	shalt  }
0x7b: {  	_ =	shalt  }
0x7c: {  	_ =	shalt  }
0x7d: {  	_ =	shalt  }
0x7e: {  	_ =	shalt  }
0x7f: {  	_ =	shalt  }
0x80: {  	_ =	shalt  }
0x81: {  	_ =	shalt  }
0x82: {  	_ =	shalt  }
0x83: {  	_ =	shalt  }
0x84: {  	_ =	shalt  }
0x85: {  	_ =	shalt  }
0x86: {  	_ =	shalt  }
0x87: {  	_ =	shalt  }
.Lfunc_end0:
.L_simem_size_0:
called_computation_lowered:
.L_overlay_start_0:
0x88: {  	s2 =	sld [smem:$0x3FD9]  }
0x89: {  	s3 =	sld [smem:$0x3FFE];
	_ =	sdelay $0x1  }
0x8a: {  	s1 =	srdreg.scid  }
0x8b: {  	s0 =	sand.u32 $0x1, s1  }
0x8c: {  	s17 =	sshll.u32 s0, $0xA;
	s2 =	sadd.s32 s3, s2  }
0x8d: {  	s2 =	sadd.s32 s2, s17  }
0x8e: {  	[smem:$0x3FC6] =	sst s2  }
0x8f: {  	_ = 	snop  }
0x90: {  	s2 =	sld [smem:$0x3FD0];
	(tm) =	ssettm $0x1  }
0x91: {  	s18 =	sld [smem:$0x3FFB];
	_ =	sdelay $0x3  }
0x92: {  	_ =	strace s18  }
0x93: {  	s3 =	sld [smem:$0x3FFC];
	_ =	sdelay $0x3  }
0x94: {  	_ =	strace s3  }
0x95: {  	s3 =	sld [smem:$0x3FFD];
	_ =	sdelay $0x3  }
0x96: {  	_ =	strace s3  }
0x97: {  	_ =	strace $0x8FFFFFFF  }
0x98: {  	s19 =	sld [smem:$0x3FDB];
	_ =	sdelay $0x1  }
0x99: {  	s4 =	simm.s32 $_scs_section_size  }
0x9a: {  	s5 =	simm.s32 $_size__tile_overlayer_lowered;
	s6 =	simm.s32 $_tile_overlayer_lowered  }
0x9b: {  	s22 =	simm.s32 $0x1BFF;
	s21 =	sshll.u32 s6, $0x1;
	s3 =	sadd.s32 s4, s19  }
0x9c: {  	s7 =	simm.s32 $0x0;
	s20 =	sshll.u32 s5, $0x1;
	s5 =	sadd.s32 s21, s3  }
0x9d: {  	[timem:s7], [sflag:s22] =	dma.local [hbm:s5], s20  }
0x9e: {  	_ =	swait.ge [sflag:s22], s20  }
0x9f: {  	s4 =	ssub.s32 $0x0, s20;
	[sflag:s22] =	ssyncset.done $0x0  }
0xa0: {  	[sflag:s22] =	ssyncadd.s32 s4;
	_ =	sdelay $0x1  }
0xa1: {  	s23 =	simm.s32 $0x1B8B  }
0xa2: {  	_ =	swait.ge [sflag:s23], $0x1  }
0xa3: {  	[sflag:s23] =	ssyncset.done $0x0  }
0xa4: {  	s25 =	simm.s32 $0x1B8E;
	s24 =	sld [smem:$0x3FFE];
	[sflag:s23] =	ssyncadd.s32 $0xFFFFFFFF  }
0xa5: {  	s26 =	simm.s32 $execute0_lowered;
	[smem:$0x3FD2] =	sst s25  }
0xa6: {  	s5 =	sshll.u32 s26, $0x1;
	_ =	strace $0x80000046;
	[dreg:$0x1] =	wrdreg $0xFFFFFFFF  }
0xa7: {  	s28 =	simm.s32 $_size_execute0_lowered;
	s3 =	sadd.s32 s3, s5;
	[dreg:$0x0] =	wrdreg $0x0  }
0xa8: {  	s5 =	sshll.u32 s28, $0x1;
	[dreg:$0x2] =	wrdreg s3  }
0xa9: {  	[dreg:$0x3] =	wrdreg s5  }
0xaa: {  	[dreg:$0x4] =	wrdreg $0xC0  }
0xab: {  	_ =	task [dreg:s7], $0x5FFFF  }
0xac: {  	[dreg:$0x1] =	wrdreg $0xFFFFFFFF  }
0xad: {  	[dreg:$0x0] =	wrdreg $0x60  }
0xae: {  	[dreg:$0x2] =	wrdreg s24  }
0xaf: {  	[dreg:$0x3] =	wrdreg s2  }
0xb0: {  	[dreg:$0x4] =	wrdreg $0x9  }
0xb1: {  	_ =	task.clear_ibuf [dreg:s7], $0x5FFFF;
	_ =	strace $0x90000046  }
0xb2: {  	s29 =	simm.s32 $0x9;
	_ =	strace $0x80000048  }
0xb3: {  	_ =	swait.ge [sflag:s29], $0x1  }
0xb4: {  	[sflag:s29] =	ssyncadd.s32 $0xFFFFFFFF  }
0xb5: {  	_ =	strace $0x90000048  }
0xb6: {  	_ =	sfence  }
0xb7: {  	s30 =	sld [smem:$0x0];
	_ =	sdelay $0x2  }
0xb8: {  	s31 =	sshll.u32 s1, $0xD;
	s1 =	sshrl.u32 s1, $0x2  }
0xb9: {  	s3 =	sand.u32 $0x4000, s31;
	s1 =	sadd.s32 s1, s30  }
0xba: {  	s0 =	sor.u32 s3, s0;
	s1 =	sshll.u32 s1, $0x11  }
0xbb: {  	s0 =	sor.u32 s1, s0  }
0xbc: {  	s0 =	sadd.s32 $0x8F2B, s0  }
0xbd: {  	[sflag:s0] =	ssyncadd.remote.s32 $0x1  }
0xbe: {  	_ =	sfence.sel $0xFFFF  }
0xbf: {  	[dreg:$0x0] =	wrdreg $0xFFFFFFFF;
	(pc) =	sbr.abs _section_cstart, $3  }
0xc0: {  	[dreg:$0x1] =	wrdreg $0xFFFFFFFF  }
0xc1: {  	_ =	task.clear_ibuf [dreg:s7], $0x2FFFF;
	_ =	strace $0x9FFFFFFF  }
0xc2: {  	(tm) =	ssettm $0x7FFFFFFF  }
0xc3: {  	_ =	shalt  }
tec
execute0_lowered:
.L_overlay_start_1:
0x0: {  	(tag) =	ssettag $0x1  }
0x1: {  	s1 =	srdreg.scid  }
0x2: {  	s0 =	stileid.u32;
	s9 =	rddreg [dreg:$0x0]  }
0x3: {  	s3 =	rddreg [dreg:$0x1];
	s6 =	sand.u32 $0x1, s1;
	s30 =	sshll.u32 s0, $0x1  }
0x4: {  	s2 =	simm.s32 $0x0;
	s1 =	rddreg [dreg:$0x2];
	s7 =	sor.u32 s6, s30  }
0x5: {  	s8 =	simm.s32 $0x1;
	[smem:$0x7FF] =	sst s2;
	s4 =	smul.u32 $0x18, s7  }
0x6: {  	s5 =	sadd.s32 $0x800, s9;
	_ =	strace $0x80000047;
	s11 =	ssub.s32 $0x2, s6  }
0x7: {  	s6 =	simm.s32 $0xC0;
	s4 =	sadd.s32 s3, s4;
	s3 =	simm.s32 $0x2  }
0x8: {  	[tilespmem:s2], [sflag:$0x2] =	stream.linear.gather [hbm4b:s4+s2], $0xC0, $0x38;
	[tilespmem:$0x6100] =	vst v63  }
0x9: {  	s10 =	smul.u32 $0xC00, s7;
	s12 =	sshrl.u32 s11, $0x1;
	_ =	swait.ge [sflag:s3], $0xC0  }
0xa: {  	s7 =	simm.s32 $0x100;
	s31 =	ssub.s32 s11, s12;
	[sflag:s3] =	ssyncset.done $0x0  }
0xb: {  	s9 =	sadd.s32 s10, s9;
	s10 =	smax.u32 s31, $0x1;
	[sflag:s3] =	ssyncadd.s32 $0xFFFFFF40  }
0xc: {  	[tilespmem:s7], [sflag:$0x1] =	stream.indirect.gather [hbm4b:s5+s6], $0x80, s2, s6, $0xb8;
	[tilespmem:$0x6100] =	vst v63  }
0xd: {  	p0 =	sne.s32 s10, $0x1;
	_ =	swait.ge [sflag:s8], $0x6000  }
.Ltmp0:
0xe: {  	[sflag:s8] =	ssyncset.done $0x0;
	(pc) =	sbr.rel @!p0 .LBB2_2-.Ltmp0, $4  }
0xf: {  	s9 =	sadd.s32 $0x8800, s9;
	[sflag:s8] =	ssyncadd.s32 $0xFFFFA000  }
0x10: {  	[hbm4b:s9+s2] =	stream.linear.scatter [tilespmem:s7], [sflag:$0x2], $0x6000, $0x38;
	[tilespmem:$0x6100] =	vst v63  }
0x11: {  	_ =	swait.ge [sflag:s3], $0x6000  }
0x12: {  	s10 =	sadd.s32 $0xFFFFFFFF, s10;
	[sflag:s3] =	ssyncset.done $0x0  }
.LBB2_1:
0x13: {  	p0 =	sne.s32 s10, $0x1;
	s10 =	sadd.s32 $0xFFFFFFFF, s10;
	[sflag:s3] =	ssyncadd.s32 $0xFFFFA000  }
0x14: {  	[tilespmem:s2], [sflag:$0x2] =	stream.linear.gather [hbm4b:s4+s2], $0xC0, $0x38;
	[tilespmem:$0x6100] =	vst v63  }
0x15: {  	_ =	swait.ge [sflag:s3], $0xC0  }
0x16: {  	[sflag:s3] =	ssyncset.done $0x0  }
0x17: {  	[sflag:s3] =	ssyncadd.s32 $0xFFFFFF40  }
0x18: {  	[tilespmem:s7], [sflag:$0x1] =	stream.indirect.gather [hbm4b:s5+s6], $0x80, s2, s6, $0xb8;
	[tilespmem:$0x6100] =	vst v63  }
0x19: {  	_ =	swait.ge [sflag:s8], $0x6000  }
.Ltmp1:
0x1a: {  	[sflag:s8] =	ssyncset.done $0x0;
	(pc) =	sbr.rel @p0 .LBB2_1-.Ltmp1, $4  }
0x1b: {  	[sflag:s8] =	ssyncadd.s32 $0xFFFFA000  }
0x1c: {  	[hbm4b:s9+s2] =	stream.linear.scatter [tilespmem:s7], [sflag:$0x2], $0x6000, $0x38;
	[tilespmem:$0x6100] =	vst v63  }
0x1d: {  	_ =	swait.ge [sflag:s3], $0x6000  }
0x1e: {  	[sflag:s3] =	ssyncset.done $0x0  }
.LBB2_2:
0x1f: {  	[sflag:s3] =	ssyncadd.s32 $0xFFFFA000  }
0x20: {  	_ =	sfence.sel $0x180000  }
0x21: {  	[bflag:$0x0] =	sbarrier.arrive $0xFFFF  }
0x22: {  	p0 =	sne.s32 s0, $0x0;
	_ =	strace $0x90000047  }
0x23: {  	s0 =	sadd.s32 @!p0 $0x100000, s1;
	[bflag:$0x2] =	sbarrier.arrive $0xFFFF  }
0x24: {  	[sflag:s0] =	ssyncadd.tile.s32 @!p0 $0x1;
	_ =	shalt  }
.Lfunc_end2:
_tile_overlayer_lowered:
.L_overlay_start_2:
0x25: {  	(tag) =	ssettag $0x2  }
0x26: {  	s0 =	rddreg [dreg:$0x0];
	s2 =	stileid.u32  }
0x27: {  	s1 =	rddreg [dreg:$0x1];
	p0 =	sne.s32 s2, $0x0  }
0x28: {  	s3 =	rddreg [dreg:$0x2];
	[bflag:$0x3] =	sbarrier.arrive $0xFFFF;
	s2 =	simm.s32 @!p0 $0x1C02  }
0x29: {  	[timem:s3], [sflag:s2] =	dma.local @!p0 [hbm:s0], s1  }
0x2a: {  	s0 =	simm.s32 @!p0 $0x2  }
0x2b: {  	_ =	swait.ge @!p0 [sflag:s0], s1  }
0x2c: {  	s1 =	ssub.s32 @!p0 $0x0, s1;
	[sflag:s0] =	ssyncset.done @!p0 $0x0  }
0x2d: {  	[sflag:s0] =	ssyncadd.s32 @!p0 s1  }
0x2e: {  	[bflag:$0x3] =	sbarrier.arrive $0xFFFF  }
0x2f: {  	_ =	shalt  }

</sc_bundles>
